<compile_context>
chip_gen: v7x
topology: tpu7x:2x2x1
jax: 0.10.2.dev20260603
libtpu: 0.0.44.dev20260713+nightly
codegen_flags: <defaults>
</compile_context>

<pallas_src>
import functools

import jax
import jax.numpy as jnp
from jax import lax
from jax.experimental import pallas as pl
from jax.experimental.pallas import tpu as pltpu
from jax.experimental.pallas import tpu_sc as plsc

NU, NI = 3000, 2000
D_IN, D_SIDE = 128, 64
NS, H_GCN, H_SIDE, H_ENC = 5, 160, 64, 128
NB, NC, E = 3, 5, 200000
HPS = H_GCN // NS

NSPLIT = 8
NGRP = 4
WPS = H_ENC // 2 // NSPLIT
EC = 3584
NCHUNK = 14
EG = EC * NCHUNK
E_PAD = NGRP * EG
FE = 2 * EC // 16
UW = H_ENC // 2
ZW = NB * H_ENC // 2


def _pre_body(ui_ref, ii_ref, wg_ref, tmpu_ref, tmpv_ref):
    ui = ui_ref[...]
    ii = ii_ref[...]
    for s in range(NS):
        w = wg_ref[s]
        tmpu_ref[s] = jnp.dot(ui, w, preferred_element_type=jnp.float32)
        tmpv_ref[s] = jnp.dot(ii, w, preferred_element_type=jnp.float32)


def _pre(user_inputs, item_inputs, w_gcn):
    return pl.pallas_call(
        _pre_body,
        out_shape=(
            jax.ShapeDtypeStruct((NS, NU, HPS), jnp.float32),
            jax.ShapeDtypeStruct((NS, NI, HPS), jnp.float32),
        ),
    )(user_inputs, item_inputs, w_gcn)


_BMU = 600
_BMI = 400


def _gcn_body(us_ref, is_ref, tmpu_ref, tmpv_ref, uh_ref, ih_ref):
    uh_ref[0] = jax.nn.relu(
        jnp.dot(us_ref[0], tmpv_ref[0], preferred_element_type=jnp.float32))
    ih_ref[0] = jax.nn.relu(
        jnp.dot(is_ref[0], tmpu_ref[0], preferred_element_type=jnp.float32))


def _gcn(user_supports, item_supports, tmp_u, tmp_v):
    grid = (NS, NU // _BMU)
    return pl.pallas_call(
        _gcn_body,
        grid=grid,
        in_specs=[
            pl.BlockSpec((1, _BMU, NI), lambda s, m: (s, m, 0)),
            pl.BlockSpec((1, _BMI, NU), lambda s, m: (s, m, 0)),
            pl.BlockSpec((1, NU, HPS), lambda s, m: (s, 0, 0)),
            pl.BlockSpec((1, NI, HPS), lambda s, m: (s, 0, 0)),
        ],
        out_specs=[
            pl.BlockSpec((1, _BMU, HPS), lambda s, m: (s, m, 0)),
            pl.BlockSpec((1, _BMI, HPS), lambda s, m: (s, m, 0)),
        ],
        out_shape=(
            jax.ShapeDtypeStruct((NS, NU, HPS), jnp.float32),
            jax.ShapeDtypeStruct((NS, NI, HPS), jnp.float32),
        ),
    )(user_supports, item_supports, tmp_u, tmp_v)


def _heads_body(uh_ref, ih_ref, usd_ref, isd_ref, w1u_ref, b1u_ref, w1i_ref,
                b1i_ref, w2u_ref, w2i_ref, wdec_ref, ue_ref, zcat_ref):
    w2u = w2u_ref[...]
    w2i = w2i_ref[...]
    ush = jax.nn.relu(
        jnp.dot(usd_ref[...], w1u_ref[...], preferred_element_type=jnp.float32)
        + b1u_ref[...])
    ish = jax.nn.relu(
        jnp.dot(isd_ref[...], w1i_ref[...], preferred_element_type=jnp.float32)
        + b1i_ref[...])
    ue = jnp.dot(ush, w2u[H_GCN:], preferred_element_type=jnp.float32)
    ie = jnp.dot(ish, w2i[H_GCN:], preferred_element_type=jnp.float32)
    for s in range(NS):
        ue = ue + jnp.dot(uh_ref[s], w2u[s * HPS:(s + 1) * HPS],
                          preferred_element_type=jnp.float32)
        ie = ie + jnp.dot(ih_ref[s], w2i[s * HPS:(s + 1) * HPS],
                          preferred_element_type=jnp.float32)
    ue_ref[...] = ue
    zs = []
    for b in range(NB):
        zs.append(lax.dot_general(ie, wdec_ref[b], (((1,), (1,)), ((), ())),
                                  preferred_element_type=jnp.float32))
    zcat_ref[...] = jnp.concatenate(zs, axis=1)


def _heads(uh, ih, user_side_inputs, item_side_inputs, w1_user, b1_user,
           w1_item, b1_item, w2_user, w2_item, w_dec):
    return pl.pallas_call(
        _heads_body,
        out_shape=(
            jax.ShapeDtypeStruct((NU, H_ENC), jnp.float32),
            jax.ShapeDtypeStruct((NI, NB * H_ENC), jnp.float32),
        ),
    )(uh, ih, user_side_inputs, item_side_inputs, w1_user,
      b1_user.reshape(1, H_SIDE), w1_item, b1_item.reshape(1, H_SIDE),
      w2_user, w2_item, w_dec)


def _decode(u_split, z_split, uidx, vidx, wcls_b):
    mesh = plsc.VectorSubcoreMesh(core_axis_name="c", subcore_axis_name="s")

    @functools.partial(
        pl.kernel,
        mesh=mesh,
        compiler_params=pltpu.CompilerParams(
            needs_layout_passes=False, use_tc_tiling_on_sc=False),
        out_type=(
            jax.ShapeDtypeStruct((NC, E_PAD), jnp.float32),
            jax.ShapeDtypeStruct((NSPLIT, NGRP, NCHUNK, NB, EC),
                                 jnp.float32),
        ),
        scratch_types=[
            pltpu.VMEM((NU, WPS), jnp.float32),
            pltpu.VMEM((NI, NB * WPS), jnp.float32),
            pltpu.VMEM((EC // 128, 128), jnp.int32),
            pltpu.VMEM((EC // 128, 128), jnp.int32),
            pltpu.VMEM((NB, EC), jnp.float32),
            pltpu.VMEM((NSPLIT, NB, FE), jnp.float32),
            pltpu.VMEM((NC, FE), jnp.float32),
            pltpu.VMEM((NB * NC, 16), jnp.float32),
        ],
    )
    def k(u_hbm, z_hbm, ui_hbm, vi_hbm, wc_hbm, out_hbm, slab,
          u_t, z_t, uix, vix, part, foldb, outf, wcv):
        cid = lax.axis_index("c")
        sid = lax.axis_index("s")
        gl = sid % 2
        split = sid // 2
        grp = cid * 2 + gl
        gbase = grp * EG

        pltpu.sync_copy(u_hbm.at[split], u_t)
        pltpu.sync_copy(z_hbm.at[split], z_t)
        pltpu.sync_copy(wc_hbm, wcv)
        wv = [wcv[i] for i in range(NB * NC)]

        fgl = sid // 8
        fgrp = cid * 2 + fgl
        fo = (sid % 8) * FE
        iotav = lax.iota(jnp.int32, 16)

        def chunk(kk, carry):
            krow = (gbase // 128) + kk * (EC // 128)
            pltpu.sync_copy(ui_hbm.at[pl.ds(krow, EC // 128)], uix)
            pltpu.sync_copy(vi_hbm.at[pl.ds(krow, EC // 128)], vix)

            def g16(g2, carry2):
                uvec = uix[g2 // 8, pl.ds((g2 % 8) * 16, 16)]
                vvec = vix[g2 // 8, pl.ds((g2 % 8) * 16, 16)]
                accs = [jnp.zeros((16,), jnp.float32)] * NB
                zero = jnp.full((16,), 0, jnp.int32)
                for w in range(WPS):
                    uw = plsc.load_gather(u_t, [uvec, zero + w])
                    ua, ub = plsc.unpack(
                        plsc.bitcast(uw, jnp.bfloat16),
                        format=plsc.PackFormat.INTERLEAVED)
                    for bb in range(NB):
                        zw = plsc.load_gather(
                            z_t, [vvec, zero + (bb * WPS + w)])
                        za, zb = plsc.unpack(
                            plsc.bitcast(zw, jnp.bfloat16),
                            format=plsc.PackFormat.INTERLEAVED)
                        accs[bb] = accs[bb] + ua * za + ub * zb
                for bb in range(NB):
                    part[bb, pl.ds(g2 * 16, 16)] = accs[bb]
                return carry2

            lax.fori_loop(0, EC // 16, g16, 0)
            pltpu.sync_copy(part, slab.at[split, grp, kk])
            return carry

        lax.fori_loop(0, NCHUNK, chunk, 0)
        plsc.subcore_barrier()

        def fold(kk, carry):
            pltpu.sync_copy(
                slab.at[:, fgrp, kk, :, pl.ds(fo, FE)], foldb)

            def f16(j, carry2):
                bsum = []
                for bb in range(NB):
                    acc = foldb[0, bb, pl.ds(j * 16, 16)]
                    for sp in range(1, NSPLIT):
                        acc = acc + foldb[sp, bb, pl.ds(j * 16, 16)]
                    bsum.append(acc)
                for c in range(NC):
                    lc = (bsum[0] * wv[c]
                          + bsum[1] * wv[NC + c]
                          + bsum[2] * wv[2 * NC + c])
                    outf[c, pl.ds(j * 16, 16)] = lc
                return carry2

            lax.fori_loop(0, FE // 16, f16, 0)
            pltpu.sync_copy(
                outf, out_hbm.at[:, pl.ds(fgrp * EG + kk * EC + fo, FE)])
            return carry

        lax.fori_loop(0, NCHUNK, fold, 0)

    return k(u_split, z_split, uidx, vidx, wcls_b)[0]


def kernel(user_supports, item_supports, user_inputs, item_inputs,
           user_side_inputs, item_side_inputs, user_edge_idx, item_edge_idx,
           w_gcn, w1_user, b1_user, w1_item, b1_item,
           w2_user, w2_item, w_dec, w_cls):
    tmp_u, tmp_v = _pre(user_inputs, item_inputs, w_gcn)
    uh, ih = _gcn(user_supports, item_supports, tmp_u, tmp_v)
    ue, zcat = _heads(uh, ih, user_side_inputs, item_side_inputs,
                      w1_user, b1_user, w1_item, b1_item,
                      w2_user, w2_item, w_dec)
    upk = jax.lax.bitcast_convert_type(
        ue.astype(jnp.bfloat16).reshape(NU, UW, 2), jnp.float32)
    u_split = upk.reshape(NU, NSPLIT, WPS).transpose(1, 0, 2)
    zpk = jax.lax.bitcast_convert_type(
        zcat.astype(jnp.bfloat16).reshape(NI, ZW, 2), jnp.float32)
    z_split = zpk.reshape(NI, NB, NSPLIT, WPS).transpose(2, 0, 1, 3)
    z_split = z_split.reshape(NSPLIT, NI, NB * WPS)
    pad = E_PAD - E
    uix = jnp.pad(user_edge_idx, (0, pad)).reshape(E_PAD // 128, 128)
    vix = jnp.pad(item_edge_idx, (0, pad)).reshape(E_PAD // 128, 128)
    wcb = jnp.broadcast_to(w_cls.reshape(NB * NC)[:, None], (NB * NC, 16))
    logits = _decode(u_split, z_split, uix, vix, wcb)
    return logits[:, :E].T

# --- scband reference (transcript-rebuilt; emitter-appended) ---
"""Pipeline reference for scband-graph-matrix-completion-45191645888960 (READ-ONLY COPY).

The authoritative reference and input builder live on the scoring server;
editing this copy changes nothing except your own understanding.
"""

import jax, jax.numpy as jnp
import numpy as np

NU, NI = 3000, 2000
D_IN, D_SIDE = 128, 64
NS, H_GCN, H_SIDE, H_ENC = 5, 160, 64, 128
NB, NC, E = 3, 5, 200000
HPS = H_GCN // NS


def setup_inputs(seed: int = 0):
    key = jax.random.key(seed)
    ks = jax.random.split(key, 17)
    inp = {}
    inp['user_supports'] = jax.random.uniform(ks[0], (NS, NU, NI), dtype=jnp.float32)
    inp['item_supports'] = jax.random.uniform(ks[1], (NS, NI, NU), dtype=jnp.float32)
    inp['user_inputs'] = jax.random.normal(ks[2], (NU, D_IN), dtype=jnp.float32)
    inp['item_inputs'] = jax.random.normal(ks[3], (NI, D_IN), dtype=jnp.float32)
    inp['user_side_inputs'] = jax.random.normal(ks[4], (NU, D_SIDE), dtype=jnp.float32)
    inp['item_side_inputs'] = jax.random.normal(ks[5], (NI, D_SIDE), dtype=jnp.float32)
    inp['user_edge_idx'] = jax.random.randint(ks[6], (E,), 0, NU, dtype=jnp.int32)
    inp['item_edge_idx'] = jax.random.randint(ks[7], (E,), 0, NI, dtype=jnp.int32)
    inp['w_gcn'] = jax.random.normal(ks[8], (NS, D_IN, HPS), dtype=jnp.float32) * (1.0 / np.sqrt(D_IN))
    inp['w1_user'] = jax.random.normal(ks[9], (D_SIDE, H_SIDE), dtype=jnp.float32) * (1.0 / np.sqrt(D_SIDE))
    inp['b1_user'] = jnp.zeros((H_SIDE,), dtype=jnp.float32)
    inp['w1_item'] = jax.random.normal(ks[10], (D_SIDE, H_SIDE), dtype=jnp.float32) * (1.0 / np.sqrt(D_SIDE))
    inp['b1_item'] = jnp.zeros((H_SIDE,), dtype=jnp.float32)
    inp['w2_user'] = jax.random.normal(ks[11], (H_GCN + H_SIDE, H_ENC), dtype=jnp.float32) * (1.0 / np.sqrt(H_GCN + H_SIDE))
    inp['w2_item'] = jax.random.normal(ks[12], (H_GCN + H_SIDE, H_ENC), dtype=jnp.float32) * (1.0 / np.sqrt(H_GCN + H_SIDE))
    inp['w_dec'] = jax.random.normal(ks[13], (NB, H_ENC, H_ENC), dtype=jnp.float32) * (1.0 / np.sqrt(H_ENC))
    inp['w_cls'] = jax.random.normal(ks[14], (NB, NC), dtype=jnp.float32) * (1.0 / np.sqrt(NB))
    return inp


def _forward(user_supports, item_supports, user_inputs, item_inputs,
             user_side_inputs, item_side_inputs,
             w_gcn, w1_user, b1_user, w1_item, b1_item,
             w2_user, w2_item, w_dec, w_cls,
             user_edge_idx, item_edge_idx):
    # StackGCNEncoder (dropout = identity in eval mode)
    tmp_u = jnp.einsum('nd,sdh->snh', user_inputs, w_gcn)   # [NS, NU, HPS]
    tmp_v = jnp.einsum('md,sdh->smh', item_inputs, w_gcn)   # [NS, NI, HPS]
    user_hidden = jnp.einsum('snm,smh->snh', user_supports, tmp_v)  # sparse.mm per support
    item_hidden = jnp.einsum('smn,snh->smh', item_supports, tmp_u)
    user_gcn = jax.nn.relu(jnp.transpose(user_hidden, (1, 0, 2)).reshape(NU, H_GCN))
    item_gcn = jax.nn.relu(jnp.transpose(item_hidden, (1, 0, 2)).reshape(NI, H_GCN))
    # dense1: FullyConnected on side features (relu, bias)
    user_side = jax.nn.relu(user_side_inputs @ w1_user + b1_user)
    item_side = jax.nn.relu(item_side_inputs @ w1_item + b1_item)
    # concat + dense2 (identity activation, no bias)
    user_feat = jnp.concatenate([user_gcn, user_side], axis=1)
    item_feat = jnp.concatenate([item_gcn, item_side], axis=1)
    user_embed = user_feat @ w2_user
    item_embed = item_feat @ w2_item
    # Decoder: bilinear basis decomposition on scored edges (identity activation)
    u = jnp.take(user_embed, user_edge_idx, axis=0)
    v = jnp.take(item_embed, item_edge_idx, axis=0)
    basis = jnp.einsum('ed,bdf,ef->eb', u, w_dec, v)  # [E, NB]
    edge_logits = basis @ w_cls                        # [E, NC]
    return edge_logits


def reference(user_supports, item_supports, user_inputs, item_inputs,
              user_side_inputs, item_side_inputs, user_edge_idx, item_edge_idx,
              w_gcn, w1_user, b1_user, w1_item, b1_item,
              w2_user, w2_item, w_dec, w_cls):
    return _forward(user_supports, item_supports, user_inputs, item_inputs,
                    user_side_inputs, item_side_inputs,
                    w_gcn, w1_user, b1_user, w1_item, b1_item,
                    w2_user, w2_item, w_dec, w_cls,
                    user_edge_idx, item_edge_idx)

if __name__ == "__main__":
    import jax
    _d = setup_inputs()
    print(jax.jit(kernel)(*tuple(_d.values())))

</pallas_src>

<mosaic_0001>
#map = affine_map<(d0, d1) -> (0, 0, 0)>
#map1 = affine_map<(d0, d1) -> (0, 0)>
#map2 = affine_map<(d0, d1) -> (0, 0, 0, 0, 0)>
module attributes {stable_mosaic.version = 14 : i64} {
  func.func @k(%arg0: i32, %arg1: i32, %arg2: memref<8x3000x8xf32, #tpu.memory_space<hbm>>, %arg3: memref<8x2000x24xf32, #tpu.memory_space<hbm>>, %arg4: memref<1568x128xi32, #tpu.memory_space<hbm>>, %arg5: memref<1568x128xi32, #tpu.memory_space<hbm>>, %arg6: memref<15x16xf32, #tpu.memory_space<hbm>>, %arg7: memref<5x200704xf32, #tpu.memory_space<hbm>>, %arg8: memref<8x4x14x3x3584xf32, #tpu.memory_space<hbm>>, %arg9: memref<3000x8xf32, #tpu.memory_space<vmem>>, %arg10: memref<2000x24xf32, #tpu.memory_space<vmem>>, %arg11: memref<28x128xi32, #tpu.memory_space<vmem>>, %arg12: memref<28x128xi32, #tpu.memory_space<vmem>>, %arg13: memref<3x3584xf32, #tpu.memory_space<vmem>>, %arg14: memref<8x3x448xf32, #tpu.memory_space<vmem>>, %arg15: memref<5x448xf32, #tpu.memory_space<vmem>>, %arg16: memref<15x16xf32, #tpu.memory_space<vmem>>) attributes {dimension_semantics = [#tpu.dimension_semantics<core_parallel>, #tpu.dimension_semantics<subcore_parallel>], iteration_bounds = array<i64: 2, 16>, scalar_prefetch = 0 : i64, scratch_operands = 8 : i64, tpu.core_type = #tpu.core_type<sc_vector_subcore>, window_params = [{transform_indices = #map}, {transform_indices = #map}, {transform_indices = #map1}, {transform_indices = #map1}, {transform_indices = #map1}, {transform_indices = #map1}, {transform_indices = #map2}]} {
    %jit3A = arith.constant 2 : i32
    %eq3A = arith.constant 0 : i32
    %eq3A_0 = arith.cmpi eq, %jit3A, %eq3A : i32
    %jit3A_1 = arith.constant 1 : i32
    %select_n3A = arith.select %eq3A_0, %jit3A_1, %jit3A : i32
    %rem3A = arith.remsi %arg1, %select_n3A : i32
    %ne3A = arith.constant 0 : i32
    %ne3A_2 = arith.cmpi ne, %rem3A, %ne3A : i32
    %lt3A = arith.constant 0 : i32
    %lt3A_3 = arith.cmpi slt, %rem3A, %lt3A : i32
    %lt3A_4 = arith.constant 0 : i32
    %lt3A_5 = arith.cmpi slt, %select_n3A, %lt3A_4 : i32
    %ne3A_6 = arith.xori %lt3A_3, %lt3A_5 : i1
    %and3A = arith.andi %ne3A_6, %ne3A_2 : i1
    %add3A = arith.addi %rem3A, %select_n3A : i32
    %select_n3A_7 = arith.select %and3A, %add3A, %rem3A : i32
    %jit3A_8 = arith.constant 2 : i32
    %div3A = arith.divsi %arg1, %jit3A_8 : i32
    %sign3A = arith.constant 0 : i32
    %sign3A_9 = arith.cmpi sgt, %arg1, %sign3A : i32
    %sign3A_10 = arith.extui %sign3A_9 : i1 to i32
    %sign3A_11 = arith.constant 0 : i32
    %sign3A_12 = arith.cmpi slt, %arg1, %sign3A_11 : i32
    %sign3A_13 = arith.extui %sign3A_12 : i1 to i32
    %sign3A_14 = arith.subi %sign3A_10, %sign3A_13 : i32
    %sign3A_15 = arith.constant 0 : i32
    %sign3A_16 = arith.cmpi sgt, %jit3A_8, %sign3A_15 : i32
    %sign3A_17 = arith.extui %sign3A_16 : i1 to i32
    %sign3A_18 = arith.constant 0 : i32
    %sign3A_19 = arith.cmpi slt, %jit3A_8, %sign3A_18 : i32
    %sign3A_20 = arith.extui %sign3A_19 : i1 to i32
    %sign3A_21 = arith.subi %sign3A_17, %sign3A_20 : i32
    %ne3A_22 = arith.cmpi ne, %sign3A_14, %sign3A_21 : i32
    %rem3A_23 = arith.remsi %arg1, %jit3A_8 : i32
    %ne3A_24 = arith.constant 0 : i32
    %ne3A_25 = arith.cmpi ne, %rem3A_23, %ne3A_24 : i32
    %and3A_26 = arith.andi %ne3A_22, %ne3A_25 : i1
    %sub3A = arith.constant 1 : i32
    %sub3A_27 = arith.subi %div3A, %sub3A : i32
    %select_n3A_28 = arith.select %and3A_26, %sub3A_27, %div3A : i32
    %mul3A = arith.constant 2 : i32
    %mul3A_29 = arith.muli %arg0, %mul3A : i32
    %add3A_30 = arith.addi %mul3A_29, %select_n3A_7 : i32
    %mul3A_31 = arith.constant 50176 : i32
    %mul3A_32 = arith.muli %add3A_30, %mul3A_31 : i32
    "tpu.region"() ({
      %run_scoped3A = tpu.sem_alloc : memref<!tpu.dma_semaphore, #tpu.memory_space<semaphore_mem>>
      %dma_start3A = arith.constant 0 : i32
      %dma_start3A_148 = arith.constant 0 : i32
      %dma_start3A_149 = tpu.memref_slice %arg2[%select_n3A_28, %dma_start3A, %dma_start3A_148] : memref<8x3000x8xf32, #tpu.memory_space<hbm>> -> memref<1x3000x8xf32, #tpu.memory_space<hbm>>
      %dma_start3A_150 = tpu.memref_squeeze %dma_start3A_149 : memref<1x3000x8xf32, #tpu.memory_space<hbm>> -> memref<3000x8xf32, #tpu.memory_space<hbm>>
      %dma_start3A_151 = arith.constant 0 : i32
      %dma_start3A_152 = arith.constant 0 : i32
      %dma_start3A_153 = tpu.memref_slice %arg2[%select_n3A_28, %dma_start3A_151, %dma_start3A_152] : memref<8x3000x8xf32, #tpu.memory_space<hbm>> -> memref<1x3000x8xf32, #tpu.memory_space<hbm>>
      %dma_start3A_154 = tpu.memref_squeeze %dma_start3A_153 : memref<1x3000x8xf32, #tpu.memory_space<hbm>> -> memref<3000x8xf32, #tpu.memory_space<hbm>>
      tpu.enqueue_dma source(%dma_start3A_154 : memref<3000x8xf32, #tpu.memory_space<hbm>>) target(%arg9 : memref<3000x8xf32, #tpu.memory_space<vmem>>) target_semaphore(%run_scoped3A : memref<!tpu.dma_semaphore, #tpu.memory_space<semaphore_mem>>)
      %dma_wait3A = arith.constant 0 : i32
      %dma_wait3A_155 = arith.constant 0 : i32
      %dma_wait3A_156 = tpu.memref_slice %arg2[%select_n3A_28, %dma_wait3A, %dma_wait3A_155] : memref<8x3000x8xf32, #tpu.memory_space<hbm>> -> memref<1x3000x8xf32, #tpu.memory_space<hbm>>
      %dma_wait3A_157 = tpu.memref_squeeze %dma_wait3A_156 : memref<1x3000x8xf32, #tpu.memory_space<hbm>> -> memref<3000x8xf32, #tpu.memory_space<hbm>>
      %dma_wait3A_158 = arith.constant 0 : i32
      %dma_wait3A_159 = arith.constant 0 : i32
      %dma_wait3A_160 = tpu.memref_slice %arg2[%select_n3A_28, %dma_wait3A_158, %dma_wait3A_159] : memref<8x3000x8xf32, #tpu.memory_space<hbm>> -> memref<1x3000x8xf32, #tpu.memory_space<hbm>>
      %dma_wait3A_161 = tpu.memref_squeeze %dma_wait3A_160 : memref<1x3000x8xf32, #tpu.memory_space<hbm>> -> memref<3000x8xf32, #tpu.memory_space<hbm>>
      tpu.wait_dma2 semaphore(%run_scoped3A : memref<!tpu.dma_semaphore, #tpu.memory_space<semaphore_mem>>) src(%dma_wait3A_161 : memref<3000x8xf32, #tpu.memory_space<hbm>>) dst(%arg9 : memref<3000x8xf32, #tpu.memory_space<vmem>>)
      tpu.yield
    }) : () -> ()
    "tpu.region"() ({
      %run_scoped3A = tpu.sem_alloc : memref<!tpu.dma_semaphore, #tpu.memory_space<semaphore_mem>>
      %dma_start3A = arith.constant 0 : i32
      %dma_start3A_148 = arith.constant 0 : i32
      %dma_start3A_149 = tpu.memref_slice %arg3[%select_n3A_28, %dma_start3A, %dma_start3A_148] : memref<8x2000x24xf32, #tpu.memory_space<hbm>> -> memref<1x2000x24xf32, #tpu.memory_space<hbm>>
      %dma_start3A_150 = tpu.memref_squeeze %dma_start3A_149 : memref<1x2000x24xf32, #tpu.memory_space<hbm>> -> memref<2000x24xf32, #tpu.memory_space<hbm>>
      %dma_start3A_151 = arith.constant 0 : i32
      %dma_start3A_152 = arith.constant 0 : i32
      %dma_start3A_153 = tpu.memref_slice %arg3[%select_n3A_28, %dma_start3A_151, %dma_start3A_152] : memref<8x2000x24xf32, #tpu.memory_space<hbm>> -> memref<1x2000x24xf32, #tpu.memory_space<hbm>>
      %dma_start3A_154 = tpu.memref_squeeze %dma_start3A_153 : memref<1x2000x24xf32, #tpu.memory_space<hbm>> -> memref<2000x24xf32, #tpu.memory_space<hbm>>
      tpu.enqueue_dma source(%dma_start3A_154 : memref<2000x24xf32, #tpu.memory_space<hbm>>) target(%arg10 : memref<2000x24xf32, #tpu.memory_space<vmem>>) target_semaphore(%run_scoped3A : memref<!tpu.dma_semaphore, #tpu.memory_space<semaphore_mem>>)
      %dma_wait3A = arith.constant 0 : i32
      %dma_wait3A_155 = arith.constant 0 : i32
      %dma_wait3A_156 = tpu.memref_slice %arg3[%select_n3A_28, %dma_wait3A, %dma_wait3A_155] : memref<8x2000x24xf32, #tpu.memory_space<hbm>> -> memref<1x2000x24xf32, #tpu.memory_space<hbm>>
      %dma_wait3A_157 = tpu.memref_squeeze %dma_wait3A_156 : memref<1x2000x24xf32, #tpu.memory_space<hbm>> -> memref<2000x24xf32, #tpu.memory_space<hbm>>
      %dma_wait3A_158 = arith.constant 0 : i32
      %dma_wait3A_159 = arith.constant 0 : i32
      %dma_wait3A_160 = tpu.memref_slice %arg3[%select_n3A_28, %dma_wait3A_158, %dma_wait3A_159] : memref<8x2000x24xf32, #tpu.memory_space<hbm>> -> memref<1x2000x24xf32, #tpu.memory_space<hbm>>
      %dma_wait3A_161 = tpu.memref_squeeze %dma_wait3A_160 : memref<1x2000x24xf32, #tpu.memory_space<hbm>> -> memref<2000x24xf32, #tpu.memory_space<hbm>>
      tpu.wait_dma2 semaphore(%run_scoped3A : memref<!tpu.dma_semaphore, #tpu.memory_space<semaphore_mem>>) src(%dma_wait3A_161 : memref<2000x24xf32, #tpu.memory_space<hbm>>) dst(%arg10 : memref<2000x24xf32, #tpu.memory_space<vmem>>)
      tpu.yield
    }) : () -> ()
    "tpu.region"() ({
      %run_scoped3A = tpu.sem_alloc : memref<!tpu.dma_semaphore, #tpu.memory_space<semaphore_mem>>
      tpu.enqueue_dma source(%arg6 : memref<15x16xf32, #tpu.memory_space<hbm>>) target(%arg16 : memref<15x16xf32, #tpu.memory_space<vmem>>) target_semaphore(%run_scoped3A : memref<!tpu.dma_semaphore, #tpu.memory_space<semaphore_mem>>)
      tpu.wait_dma2 semaphore(%run_scoped3A : memref<!tpu.dma_semaphore, #tpu.memory_space<semaphore_mem>>) src(%arg6 : memref<15x16xf32, #tpu.memory_space<hbm>>) dst(%arg16 : memref<15x16xf32, #tpu.memory_space<vmem>>)
      tpu.yield
    }) : () -> ()
    %get3A = arith.constant 0 : i32
    %get3A_33 = arith.index_cast %get3A : i32 to index
    %get3A_34 = arith.constant 0 : index
    %get3A_35 = tpu.vector_load %arg16[%get3A_33, %get3A_34] {strides = array<i32>} : memref<15x16xf32, #tpu.memory_space<vmem>>, vector<16xf32>,
    %get3A_36 = arith.constant 1 : i32
    %get3A_37 = arith.index_cast %get3A_36 : i32 to index
    %get3A_38 = arith.constant 0 : index
    %get3A_39 = tpu.vector_load %arg16[%get3A_37, %get3A_38] {strides = array<i32>} : memref<15x16xf32, #tpu.memory_space<vmem>>, vector<16xf32>,
    %get3A_40 = arith.constant 2 : i32
    %get3A_41 = arith.index_cast %get3A_40 : i32 to index
    %get3A_42 = arith.constant 0 : index
    %get3A_43 = tpu.vector_load %arg16[%get3A_41, %get3A_42] {strides = array<i32>} : memref<15x16xf32, #tpu.memory_space<vmem>>, vector<16xf32>,
    %get3A_44 = arith.constant 3 : i32
    %get3A_45 = arith.index_cast %get3A_44 : i32 to index
    %get3A_46 = arith.constant 0 : index
    %get3A_47 = tpu.vector_load %arg16[%get3A_45, %get3A_46] {strides = array<i32>} : memref<15x16xf32, #tpu.memory_space<vmem>>, vector<16xf32>,
    %get3A_48 = arith.constant 4 : i32
    %get3A_49 = arith.index_cast %get3A_48 : i32 to index
    %get3A_50 = arith.constant 0 : index
    %get3A_51 = tpu.vector_load %arg16[%get3A_49, %get3A_50] {strides = array<i32>} : memref<15x16xf32, #tpu.memory_space<vmem>>, vector<16xf32>,
    %get3A_52 = arith.constant 5 : i32
    %get3A_53 = arith.index_cast %get3A_52 : i32 to index
    %get3A_54 = arith.constant 0 : index
    %get3A_55 = tpu.vector_load %arg16[%get3A_53, %get3A_54] {strides = array<i32>} : memref<15x16xf32, #tpu.memory_space<vmem>>, vector<16xf32>,
    %get3A_56 = arith.constant 6 : i32
    %get3A_57 = arith.index_cast %get3A_56 : i32 to index
    %get3A_58 = arith.constant 0 : index
    %get3A_59 = tpu.vector_load %arg16[%get3A_57, %get3A_58] {strides = array<i32>} : memref<15x16xf32, #tpu.memory_space<vmem>>, vector<16xf32>,
    %get3A_60 = arith.constant 7 : i32
    %get3A_61 = arith.index_cast %get3A_60 : i32 to index
    %get3A_62 = arith.constant 0 : index
    %get3A_63 = tpu.vector_load %arg16[%get3A_61, %get3A_62] {strides = array<i32>} : memref<15x16xf32, #tpu.memory_space<vmem>>, vector<16xf32>,
    %get3A_64 = arith.constant 8 : i32
    %get3A_65 = arith.index_cast %get3A_64 : i32 to index
    %get3A_66 = arith.constant 0 : index
    %get3A_67 = tpu.vector_load %arg16[%get3A_65, %get3A_66] {strides = array<i32>} : memref<15x16xf32, #tpu.memory_space<vmem>>, vector<16xf32>,
    %get3A_68 = arith.constant 9 : i32
    %get3A_69 = arith.index_cast %get3A_68 : i32 to index
    %get3A_70 = arith.constant 0 : index
    %get3A_71 = tpu.vector_load %arg16[%get3A_69, %get3A_70] {strides = array<i32>} : memref<15x16xf32, #tpu.memory_space<vmem>>, vector<16xf32>,
    %get3A_72 = arith.constant 10 : i32
    %get3A_73 = arith.index_cast %get3A_72 : i32 to index
    %get3A_74 = arith.constant 0 : index
    %get3A_75 = tpu.vector_load %arg16[%get3A_73, %get3A_74] {strides = array<i32>} : memref<15x16xf32, #tpu.memory_space<vmem>>, vector<16xf32>,
    %get3A_76 = arith.constant 11 : i32
    %get3A_77 = arith.index_cast %get3A_76 : i32 to index
    %get3A_78 = arith.constant 0 : index
    %get3A_79 = tpu.vector_load %arg16[%get3A_77, %get3A_78] {strides = array<i32>} : memref<15x16xf32, #tpu.memory_space<vmem>>, vector<16xf32>,
    %get3A_80 = arith.constant 12 : i32
    %get3A_81 = arith.index_cast %get3A_80 : i32 to index
    %get3A_82 = arith.constant 0 : index
    %get3A_83 = tpu.vector_load %arg16[%get3A_81, %get3A_82] {strides = array<i32>} : memref<15x16xf32, #tpu.memory_space<vmem>>, vector<16xf32>,
    %get3A_84 = arith.constant 13 : i32
    %get3A_85 = arith.index_cast %get3A_84 : i32 to index
    %get3A_86 = arith.constant 0 : index
    %get3A_87 = tpu.vector_load %arg16[%get3A_85, %get3A_86] {strides = array<i32>} : memref<15x16xf32, #tpu.memory_space<vmem>>, vector<16xf32>,
    %get3A_88 = arith.constant 14 : i32
    %get3A_89 = arith.index_cast %get3A_88 : i32 to index
    %get3A_90 = arith.constant 0 : index
    %get3A_91 = tpu.vector_load %arg16[%get3A_89, %get3A_90] {strides = array<i32>} : memref<15x16xf32, #tpu.memory_space<vmem>>, vector<16xf32>,
    %jit3A_92 = arith.constant 8 : i32
    %div3A_93 = arith.divsi %arg1, %jit3A_92 : i32
    %sign3A_94 = arith.constant 0 : i32
    %sign3A_95 = arith.cmpi sgt, %arg1, %sign3A_94 : i32
    %sign3A_96 = arith.extui %sign3A_95 : i1 to i32
    %sign3A_97 = arith.constant 0 : i32
    %sign3A_98 = arith.cmpi slt, %arg1, %sign3A_97 : i32
    %sign3A_99 = arith.extui %sign3A_98 : i1 to i32
    %sign3A_100 = arith.subi %sign3A_96, %sign3A_99 : i32
    %sign3A_101 = arith.constant 0 : i32
    %sign3A_102 = arith.cmpi sgt, %jit3A_92, %sign3A_101 : i32
    %sign3A_103 = arith.extui %sign3A_102 : i1 to i32
    %sign3A_104 = arith.constant 0 : i32
    %sign3A_105 = arith.cmpi slt, %jit3A_92, %sign3A_104 : i32
    %sign3A_106 = arith.extui %sign3A_105 : i1 to i32
    %sign3A_107 = arith.subi %sign3A_103, %sign3A_106 : i32
    %ne3A_108 = arith.cmpi ne, %sign3A_100, %sign3A_107 : i32
    %rem3A_109 = arith.remsi %arg1, %jit3A_92 : i32
    %ne3A_110 = arith.constant 0 : i32
    %ne3A_111 = arith.cmpi ne, %rem3A_109, %ne3A_110 : i32
    %and3A_112 = arith.andi %ne3A_108, %ne3A_111 : i1
    %sub3A_113 = arith.constant 1 : i32
    %sub3A_114 = arith.subi %div3A_93, %sub3A_113 : i32
    %select_n3A_115 = arith.select %and3A_112, %sub3A_114, %div3A_93 : i32
    %mul3A_116 = arith.constant 2 : i32
    %mul3A_117 = arith.muli %arg0, %mul3A_116 : i32
    %add3A_118 = arith.addi %mul3A_117, %select_n3A_115 : i32
    %jit3A_119 = arith.constant 8 : i32
    %eq3A_120 = arith.constant 0 : i32
    %eq3A_121 = arith.cmpi eq, %jit3A_119, %eq3A_120 : i32
    %jit3A_122 = arith.constant 1 : i32
    %select_n3A_123 = arith.select %eq3A_121, %jit3A_122, %jit3A_119 : i32
    %rem3A_124 = arith.remsi %arg1, %select_n3A_123 : i32
    %ne3A_125 = arith.constant 0 : i32
    %ne3A_126 = arith.cmpi ne, %rem3A_124, %ne3A_125 : i32
    %lt3A_127 = arith.constant 0 : i32
    %lt3A_128 = arith.cmpi slt, %rem3A_124, %lt3A_127 : i32
    %lt3A_129 = arith.constant 0 : i32
    %lt3A_130 = arith.cmpi slt, %select_n3A_123, %lt3A_129 : i32
    %ne3A_131 = arith.xori %lt3A_128, %lt3A_130 : i1
    %and3A_132 = arith.andi %ne3A_131, %ne3A_126 : i1
    %add3A_133 = arith.addi %rem3A_124, %select_n3A_123 : i32
    %select_n3A_134 = arith.select %and3A_132, %add3A_133, %rem3A_124 : i32
    %mul3A_135 = arith.constant 448 : i32
    %mul3A_136 = arith.muli %select_n3A_134, %mul3A_135 : i32
    %iota3A = tpu.iota {dimensions = array<i32: 0>} : vector<16xi32>
    %scan3A = arith.constant 0 : i32
    %scan3A_137 = arith.constant 0 : i32
    %scan3A_138 = arith.constant 14 : i32
    %scan3A_139 = arith.addi %scan3A_137, %scan3A_138 : i32
    %scan3A_140 = arith.constant 1 : i32
    scf.for %scan3A_148 = %scan3A_137 to %scan3A_139 step %scan3A_140  : i32 {
      %jit3A_149 = arith.constant 128 : i32
      %div3A_150 = arith.divsi %mul3A_32, %jit3A_149 : i32
      %sign3A_151 = arith.constant 0 : i32
      %sign3A_152 = arith.cmpi sgt, %mul3A_32, %sign3A_151 : i32
      %sign3A_153 = arith.extui %sign3A_152 : i1 to i32
      %sign3A_154 = arith.constant 0 : i32
      %sign3A_155 = arith.cmpi slt, %mul3A_32, %sign3A_154 : i32
      %sign3A_156 = arith.extui %sign3A_155 : i1 to i32
      %sign3A_157 = arith.subi %sign3A_153, %sign3A_156 : i32
      %sign3A_158 = arith.constant 0 : i32
      %sign3A_159 = arith.cmpi sgt, %jit3A_149, %sign3A_158 : i32
      %sign3A_160 = arith.extui %sign3A_159 : i1 to i32
      %sign3A_161 = arith.constant 0 : i32
      %sign3A_162 = arith.cmpi slt, %jit3A_149, %sign3A_161 : i32
      %sign3A_163 = arith.extui %sign3A_162 : i1 to i32
      %sign3A_164 = arith.subi %sign3A_160, %sign3A_163 : i32
      %ne3A_165 = arith.cmpi ne, %sign3A_157, %sign3A_164 : i32
      %rem3A_166 = arith.remsi %mul3A_32, %jit3A_149 : i32
      %ne3A_167 = arith.constant 0 : i32
      %ne3A_168 = arith.cmpi ne, %rem3A_166, %ne3A_167 : i32
      %and3A_169 = arith.andi %ne3A_165, %ne3A_168 : i1
      %sub3A_170 = arith.constant 1 : i32
      %sub3A_171 = arith.subi %div3A_150, %sub3A_170 : i32
      %select_n3A_172 = arith.select %and3A_169, %sub3A_171, %div3A_150 : i32
      %mul3A_173 = arith.constant 28 : i32
      %mul3A_174 = arith.muli %scan3A_148, %mul3A_173 : i32
      %add3A_175 = arith.addi %select_n3A_172, %mul3A_174 : i32
      "tpu.region"() ({
        %run_scoped3A = tpu.sem_alloc : memref<!tpu.dma_semaphore, #tpu.memory_space<semaphore_mem>>
        %dma_start3A = arith.constant 0 : i32
        %dma_start3A_182 = tpu.memref_slice %arg4[%add3A_175, %dma_start3A] : memref<1568x128xi32, #tpu.memory_space<hbm>> -> memref<28x128xi32, #tpu.memory_space<hbm>>
        %dma_start3A_183 = arith.constant 0 : i32
        %dma_start3A_184 = tpu.memref_slice %arg4[%add3A_175, %dma_start3A_183] : memref<1568x128xi32, #tpu.memory_space<hbm>> -> memref<28x128xi32, #tpu.memory_space<hbm>>
        tpu.enqueue_dma source(%dma_start3A_184 : memref<28x128xi32, #tpu.memory_space<hbm>>) target(%arg11 : memref<28x128xi32, #tpu.memory_space<vmem>>) target_semaphore(%run_scoped3A : memref<!tpu.dma_semaphore, #tpu.memory_space<semaphore_mem>>)
        %dma_wait3A = arith.constant 0 : i32
        %dma_wait3A_185 = tpu.memref_slice %arg4[%add3A_175, %dma_wait3A] : memref<1568x128xi32, #tpu.memory_space<hbm>> -> memref<28x128xi32, #tpu.memory_space<hbm>>
        %dma_wait3A_186 = arith.constant 0 : i32
        %dma_wait3A_187 = tpu.memref_slice %arg4[%add3A_175, %dma_wait3A_186] : memref<1568x128xi32, #tpu.memory_space<hbm>> -> memref<28x128xi32, #tpu.memory_space<hbm>>
        tpu.wait_dma2 semaphore(%run_scoped3A : memref<!tpu.dma_semaphore, #tpu.memory_space<semaphore_mem>>) src(%dma_wait3A_187 : memref<28x128xi32, #tpu.memory_space<hbm>>) dst(%arg11 : memref<28x128xi32, #tpu.memory_space<vmem>>)
        tpu.yield
      }) : () -> ()
      "tpu.region"() ({
        %run_scoped3A = tpu.sem_alloc : memref<!tpu.dma_semaphore, #tpu.memory_space<semaphore_mem>>
        %dma_start3A = arith.constant 0 : i32
        %dma_start3A_182 = tpu.memref_slice %arg5[%add3A_175, %dma_start3A] : memref<1568x128xi32, #tpu.memory_space<hbm>> -> memref<28x128xi32, #tpu.memory_space<hbm>>
        %dma_start3A_183 = arith.constant 0 : i32
        %dma_start3A_184 = tpu.memref_slice %arg5[%add3A_175, %dma_start3A_183] : memref<1568x128xi32, #tpu.memory_space<hbm>> -> memref<28x128xi32, #tpu.memory_space<hbm>>
        tpu.enqueue_dma source(%dma_start3A_184 : memref<28x128xi32, #tpu.memory_space<hbm>>) target(%arg12 : memref<28x128xi32, #tpu.memory_space<vmem>>) target_semaphore(%run_scoped3A : memref<!tpu.dma_semaphore, #tpu.memory_space<semaphore_mem>>)
        %dma_wait3A = arith.constant 0 : i32
        %dma_wait3A_185 = tpu.memref_slice %arg5[%add3A_175, %dma_wait3A] : memref<1568x128xi32, #tpu.memory_space<hbm>> -> memref<28x128xi32, #tpu.memory_space<hbm>>
        %dma_wait3A_186 = arith.constant 0 : i32
        %dma_wait3A_187 = tpu.memref_slice %arg5[%add3A_175, %dma_wait3A_186] : memref<1568x128xi32, #tpu.memory_space<hbm>> -> memref<28x128xi32, #tpu.memory_space<hbm>>
        tpu.wait_dma2 semaphore(%run_scoped3A : memref<!tpu.dma_semaphore, #tpu.memory_space<semaphore_mem>>) src(%dma_wait3A_187 : memref<28x128xi32, #tpu.memory_space<hbm>>) dst(%arg12 : memref<28x128xi32, #tpu.memory_space<vmem>>)
        tpu.yield
      }) : () -> ()
      %scan3A_176 = arith.constant 0 : i32
      %scan3A_177 = arith.constant 0 : i32
      %scan3A_178 = arith.constant 224 : i32
      %scan3A_179 = arith.addi %scan3A_177, %scan3A_178 : i32
      %scan3A_180 = arith.constant 1 : i32
      scf.for %scan3A_182 = %scan3A_177 to %scan3A_179 step %scan3A_180  : i32 {
        %jit3A_183 = arith.constant 8 : i32
        %div3A_184 = arith.divsi %scan3A_182, %jit3A_183 : i32
        %sign3A_185 = arith.constant 0 : i32
        %sign3A_186 = arith.cmpi sgt, %scan3A_182, %sign3A_185 : i32
        %sign3A_187 = arith.extui %sign3A_186 : i1 to i32
        %sign3A_188 = arith.constant 0 : i32
        %sign3A_189 = arith.cmpi slt, %scan3A_182, %sign3A_188 : i32
        %sign3A_190 = arith.extui %sign3A_189 : i1 to i32
        %sign3A_191 = arith.subi %sign3A_187, %sign3A_190 : i32
        %sign3A_192 = arith.constant 0 : i32
        %sign3A_193 = arith.cmpi sgt, %jit3A_183, %sign3A_192 : i32
        %sign3A_194 = arith.extui %sign3A_193 : i1 to i32
        %sign3A_195 = arith.constant 0 : i32
        %sign3A_196 = arith.cmpi slt, %jit3A_183, %sign3A_195 : i32
        %sign3A_197 = arith.extui %sign3A_196 : i1 to i32
        %sign3A_198 = arith.subi %sign3A_194, %sign3A_197 : i32
        %ne3A_199 = arith.cmpi ne, %sign3A_191, %sign3A_198 : i32
        %rem3A_200 = arith.remsi %scan3A_182, %jit3A_183 : i32
        %ne3A_201 = arith.constant 0 : i32
        %ne3A_202 = arith.cmpi ne, %rem3A_200, %ne3A_201 : i32
        %and3A_203 = arith.andi %ne3A_199, %ne3A_202 : i1
        %sub3A_204 = arith.constant 1 : i32
        %sub3A_205 = arith.subi %div3A_184, %sub3A_204 : i32
        %select_n3A_206 = arith.select %and3A_203, %sub3A_205, %div3A_184 : i32
        %jit3A_207 = arith.constant 8 : i32
        %eq3A_208 = arith.constant 0 : i32
        %eq3A_209 = arith.cmpi eq, %jit3A_207, %eq3A_208 : i32
        %jit3A_210 = arith.constant 1 : i32
        %select_n3A_211 = arith.select %eq3A_209, %jit3A_210, %jit3A_207 : i32
        %rem3A_212 = arith.remsi %scan3A_182, %select_n3A_211 : i32
        %ne3A_213 = arith.constant 0 : i32
        %ne3A_214 = arith.cmpi ne, %rem3A_212, %ne3A_213 : i32
        %lt3A_215 = arith.constant 0 : i32
        %lt3A_216 = arith.cmpi slt, %rem3A_212, %lt3A_215 : i32
        %lt3A_217 = arith.constant 0 : i32
        %lt3A_218 = arith.cmpi slt, %select_n3A_211, %lt3A_217 : i32
        %ne3A_219 = arith.xori %lt3A_216, %lt3A_218 : i1
        %and3A_220 = arith.andi %ne3A_219, %ne3A_214 : i1
        %add3A_221 = arith.addi %rem3A_212, %select_n3A_211 : i32
        %select_n3A_222 = arith.select %and3A_220, %add3A_221, %rem3A_212 : i32
        %mul3A_223 = arith.constant 16 : i32
        %mul3A_224 = arith.muli %select_n3A_222, %mul3A_223 : i32
        %get3A_225 = arith.index_cast %select_n3A_206 : i32 to index
        %get3A_226 = arith.index_cast %mul3A_224 : i32 to index
        %get3A_227 = tpu.vector_load %arg11[%get3A_225, %get3A_226] {strides = array<i32>} : memref<28x128xi32, #tpu.memory_space<vmem>>, vector<16xi32>,
        %jit3A_228 = arith.constant 8 : i32
        %div3A_229 = arith.divsi %scan3A_182, %jit3A_228 : i32
        %sign3A_230 = arith.constant 0 : i32
        %sign3A_231 = arith.cmpi sgt, %scan3A_182, %sign3A_230 : i32
        %sign3A_232 = arith.extui %sign3A_231 : i1 to i32
        %sign3A_233 = arith.constant 0 : i32
        %sign3A_234 = arith.cmpi slt, %scan3A_182, %sign3A_233 : i32
        %sign3A_235 = arith.extui %sign3A_234 : i1 to i32
        %sign3A_236 = arith.subi %sign3A_232, %sign3A_235 : i32
        %sign3A_237 = arith.constant 0 : i32
        %sign3A_238 = arith.cmpi sgt, %jit3A_228, %sign3A_237 : i32
        %sign3A_239 = arith.extui %sign3A_238 : i1 to i32
        %sign3A_240 = arith.constant 0 : i32
        %sign3A_241 = arith.cmpi slt, %jit3A_228, %sign3A_240 : i32
        %sign3A_242 = arith.extui %sign3A_241 : i1 to i32
        %sign3A_243 = arith.subi %sign3A_239, %sign3A_242 : i32
        %ne3A_244 = arith.cmpi ne, %sign3A_236, %sign3A_243 : i32
        %rem3A_245 = arith.remsi %scan3A_182, %jit3A_228 : i32
        %ne3A_246 = arith.constant 0 : i32
        %ne3A_247 = arith.cmpi ne, %rem3A_245, %ne3A_246 : i32
        %and3A_248 = arith.andi %ne3A_244, %ne3A_247 : i1
        %sub3A_249 = arith.constant 1 : i32
        %sub3A_250 = arith.subi %div3A_229, %sub3A_249 : i32
        %select_n3A_251 = arith.select %and3A_248, %sub3A_250, %div3A_229 : i32
        %jit3A_252 = arith.constant 8 : i32
        %eq3A_253 = arith.constant 0 : i32
        %eq3A_254 = arith.cmpi eq, %jit3A_252, %eq3A_253 : i32
        %jit3A_255 = arith.constant 1 : i32
        %select_n3A_256 = arith.select %eq3A_254, %jit3A_255, %jit3A_252 : i32
        %rem3A_257 = arith.remsi %scan3A_182, %select_n3A_256 : i32
        %ne3A_258 = arith.constant 0 : i32
        %ne3A_259 = arith.cmpi ne, %rem3A_257, %ne3A_258 : i32
        %lt3A_260 = arith.constant 0 : i32
        %lt3A_261 = arith.cmpi slt, %rem3A_257, %lt3A_260 : i32
        %lt3A_262 = arith.constant 0 : i32
        %lt3A_263 = arith.cmpi slt, %select_n3A_256, %lt3A_262 : i32
        %ne3A_264 = arith.xori %lt3A_261, %lt3A_263 : i1
        %and3A_265 = arith.andi %ne3A_264, %ne3A_259 : i1
        %add3A_266 = arith.addi %rem3A_257, %select_n3A_256 : i32
        %select_n3A_267 = arith.select %and3A_265, %add3A_266, %rem3A_257 : i32
        %mul3A_268 = arith.constant 16 : i32
        %mul3A_269 = arith.muli %select_n3A_267, %mul3A_268 : i32
        %get3A_270 = arith.index_cast %select_n3A_251 : i32 to index
        %get3A_271 = arith.index_cast %mul3A_269 : i32 to index
        %get3A_272 = tpu.vector_load %arg12[%get3A_270, %get3A_271] {strides = array<i32>} : memref<28x128xi32, #tpu.memory_space<vmem>>, vector<16xi32>,
        %broadcast_in_dim3A = arith.constant 0.000000e+00 : f32
        %broadcast_in_dim3A_273 = vector.broadcast %broadcast_in_dim3A : f32 to vector<16xf32>
        %broadcast_in_dim3A_274 = arith.constant 0 : i32
        %broadcast_in_dim3A_275 = vector.broadcast %broadcast_in_dim3A_274 : i32 to vector<16xi32>
        %add3A_276 = arith.constant 0 : i32
        %add3A_277 = vector.broadcast %add3A_276 : i32 to vector<16xi32>
        %add3A_278 = arith.addi %broadcast_in_dim3A_275, %add3A_277 : vector<16xi32>
        %gather3A = tpu.vector_load_idx %arg9[%get3A_227, %add3A_278] : memref<3000x8xf32, #tpu.memory_space<vmem>>[vector<16xi32>, vector<16xi32>], vector<16xf32>,
        %bitcast3A = vector.bitcast %gather3A : vector<16xf32> to vector<32xbf16>
        %unpack3A = tpu.unpack_subelements %bitcast3A, 0 {pack_format = #tpu.pack_format<interleaved>} : vector<32xbf16> -> vector<16xf32>
        %unpack3A_279 = tpu.unpack_subelements %bitcast3A, 1 {pack_format = #tpu.pack_format<interleaved>} : vector<32xbf16> -> vector<16xf32>
        %add3A_280 = arith.constant 0 : i32
        %add3A_281 = vector.broadcast %add3A_280 : i32 to vector<16xi32>
        %add3A_282 = arith.addi %broadcast_in_dim3A_275, %add3A_281 : vector<16xi32>
        %gather3A_283 = tpu.vector_load_idx %arg10[%get3A_272, %add3A_282] : memref<2000x24xf32, #tpu.memory_space<vmem>>[vector<16xi32>, vector<16xi32>], vector<16xf32>,
        %bitcast3A_284 = vector.bitcast %gather3A_283 : vector<16xf32> to vector<32xbf16>
        %unpack3A_285 = tpu.unpack_subelements %bitcast3A_284, 0 {pack_format = #tpu.pack_format<interleaved>} : vector<32xbf16> -> vector<16xf32>
        %unpack3A_286 = tpu.unpack_subelements %bitcast3A_284, 1 {pack_format = #tpu.pack_format<interleaved>} : vector<32xbf16> -> vector<16xf32>
        %mul3A_287 = arith.mulf %unpack3A, %unpack3A_285 : vector<16xf32>
        %add3A_288 = arith.addf %broadcast_in_dim3A_273, %mul3A_287 : vector<16xf32>
        %mul3A_289 = arith.mulf %unpack3A_279, %unpack3A_286 : vector<16xf32>
        %add3A_290 = arith.addf %add3A_288, %mul3A_289 : vector<16xf32>
        %add3A_291 = arith.constant 8 : i32
        %add3A_292 = vector.broadcast %add3A_291 : i32 to vector<16xi32>
        %add3A_293 = arith.addi %broadcast_in_dim3A_275, %add3A_292 : vector<16xi32>
        %gather3A_294 = tpu.vector_load_idx %arg10[%get3A_272, %add3A_293] : memref<2000x24xf32, #tpu.memory_space<vmem>>[vector<16xi32>, vector<16xi32>], vector<16xf32>,
        %bitcast3A_295 = vector.bitcast %gather3A_294 : vector<16xf32> to vector<32xbf16>
        %unpack3A_296 = tpu.unpack_subelements %bitcast3A_295, 0 {pack_format = #tpu.pack_format<interleaved>} : vector<32xbf16> -> vector<16xf32>
        %unpack3A_297 = tpu.unpack_subelements %bitcast3A_295, 1 {pack_format = #tpu.pack_format<interleaved>} : vector<32xbf16> -> vector<16xf32>
        %mul3A_298 = arith.mulf %unpack3A, %unpack3A_296 : vector<16xf32>
        %add3A_299 = arith.addf %broadcast_in_dim3A_273, %mul3A_298 : vector<16xf32>
        %mul3A_300 = arith.mulf %unpack3A_279, %unpack3A_297 : vector<16xf32>
        %add3A_301 = arith.addf %add3A_299, %mul3A_300 : vector<16xf32>
        %add3A_302 = arith.constant 16 : i32
        %add3A_303 = vector.broadcast %add3A_302 : i32 to vector<16xi32>
        %add3A_304 = arith.addi %broadcast_in_dim3A_275, %add3A_303 : vector<16xi32>
        %gather3A_305 = tpu.vector_load_idx %arg10[%get3A_272, %add3A_304] : memref<2000x24xf32, #tpu.memory_space<vmem>>[vector<16xi32>, vector<16xi32>], vector<16xf32>,
        %bitcast3A_306 = vector.bitcast %gather3A_305 : vector<16xf32> to vector<32xbf16>
        %unpack3A_307 = tpu.unpack_subelements %bitcast3A_306, 0 {pack_format = #tpu.pack_format<interleaved>} : vector<32xbf16> -> vector<16xf32>
        %unpack3A_308 = tpu.unpack_subelements %bitcast3A_306, 1 {pack_format = #tpu.pack_format<interleaved>} : vector<32xbf16> -> vector<16xf32>
        %mul3A_309 = arith.mulf %unpack3A, %unpack3A_307 : vector<16xf32>
        %add3A_310 = arith.addf %broadcast_in_dim3A_273, %mul3A_309 : vector<16xf32>
        %mul3A_311 = arith.mulf %unpack3A_279, %unpack3A_308 : vector<16xf32>
        %add3A_312 = arith.addf %add3A_310, %mul3A_311 : vector<16xf32>
        %add3A_313 = arith.constant 1 : i32
        %add3A_314 = vector.broadcast %add3A_313 : i32 to vector<16xi32>
        %add3A_315 = arith.addi %broadcast_in_dim3A_275, %add3A_314 : vector<16xi32>
        %gather3A_316 = tpu.vector_load_idx %arg9[%get3A_227, %add3A_315] : memref<3000x8xf32, #tpu.memory_space<vmem>>[vector<16xi32>, vector<16xi32>], vector<16xf32>,
        %bitcast3A_317 = vector.bitcast %gather3A_316 : vector<16xf32> to vector<32xbf16>
        %unpack3A_318 = tpu.unpack_subelements %bitcast3A_317, 0 {pack_format = #tpu.pack_format<interleaved>} : vector<32xbf16> -> vector<16xf32>
        %unpack3A_319 = tpu.unpack_subelements %bitcast3A_317, 1 {pack_format = #tpu.pack_format<interleaved>} : vector<32xbf16> -> vector<16xf32>
        %add3A_320 = arith.constant 1 : i32
        %add3A_321 = vector.broadcast %add3A_320 : i32 to vector<16xi32>
        %add3A_322 = arith.addi %broadcast_in_dim3A_275, %add3A_321 : vector<16xi32>
        %gather3A_323 = tpu.vector_load_idx %arg10[%get3A_272, %add3A_322] : memref<2000x24xf32, #tpu.memory_space<vmem>>[vector<16xi32>, vector<16xi32>], vector<16xf32>,
        %bitcast3A_324 = vector.bitcast %gather3A_323 : vector<16xf32> to vector<32xbf16>
        %unpack3A_325 = tpu.unpack_subelements %bitcast3A_324, 0 {pack_format = #tpu.pack_format<interleaved>} : vector<32xbf16> -> vector<16xf32>
        %unpack3A_326 = tpu.unpack_subelements %bitcast3A_324, 1 {pack_format = #tpu.pack_format<interleaved>} : vector<32xbf16> -> vector<16xf32>
        %mul3A_327 = arith.mulf %unpack3A_318, %unpack3A_325 : vector<16xf32>
        %add3A_328 = arith.addf %add3A_290, %mul3A_327 : vector<16xf32>
        %mul3A_329 = arith.mulf %unpack3A_319, %unpack3A_326 : vector<16xf32>
        %add3A_330 = arith.addf %add3A_328, %mul3A_329 : vector<16xf32>
        %add3A_331 = arith.constant 9 : i32
        %add3A_332 = vector.broadcast %add3A_331 : i32 to vector<16xi32>
        %add3A_333 = arith.addi %broadcast_in_dim3A_275, %add3A_332 : vector<16xi32>
        %gather3A_334 = tpu.vector_load_idx %arg10[%get3A_272, %add3A_333] : memref<2000x24xf32, #tpu.memory_space<vmem>>[vector<16xi32>, vector<16xi32>], vector<16xf32>,
        %bitcast3A_335 = vector.bitcast %gather3A_334 : vector<16xf32> to vector<32xbf16>
        %unpack3A_336 = tpu.unpack_subelements %bitcast3A_335, 0 {pack_format = #tpu.pack_format<interleaved>} : vector<32xbf16> -> vector<16xf32>
        %unpack3A_337 = tpu.unpack_subelements %bitcast3A_335, 1 {pack_format = #tpu.pack_format<interleaved>} : vector<32xbf16> -> vector<16xf32>
        %mul3A_338 = arith.mulf %unpack3A_318, %unpack3A_336 : vector<16xf32>
        %add3A_339 = arith.addf %add3A_301, %mul3A_338 : vector<16xf32>
        %mul3A_340 = arith.mulf %unpack3A_319, %unpack3A_337 : vector<16xf32>
        %add3A_341 = arith.addf %add3A_339, %mul3A_340 : vector<16xf32>
        %add3A_342 = arith.constant 17 : i32
        %add3A_343 = vector.broadcast %add3A_342 : i32 to vector<16xi32>
        %add3A_344 = arith.addi %broadcast_in_dim3A_275, %add3A_343 : vector<16xi32>
        %gather3A_345 = tpu.vector_load_idx %arg10[%get3A_272, %add3A_344] : memref<2000x24xf32, #tpu.memory_space<vmem>>[vector<16xi32>, vector<16xi32>], vector<16xf32>,
        %bitcast3A_346 = vector.bitcast %gather3A_345 : vector<16xf32> to vector<32xbf16>
        %unpack3A_347 = tpu.unpack_subelements %bitcast3A_346, 0 {pack_format = #tpu.pack_format<interleaved>} : vector<32xbf16> -> vector<16xf32>
        %unpack3A_348 = tpu.unpack_subelements %bitcast3A_346, 1 {pack_format = #tpu.pack_format<interleaved>} : vector<32xbf16> -> vector<16xf32>
        %mul3A_349 = arith.mulf %unpack3A_318, %unpack3A_347 : vector<16xf32>
        %add3A_350 = arith.addf %add3A_312, %mul3A_349 : vector<16xf32>
        %mul3A_351 = arith.mulf %unpack3A_319, %unpack3A_348 : vector<16xf32>
        %add3A_352 = arith.addf %add3A_350, %mul3A_351 : vector<16xf32>
        %add3A_353 = arith.constant 2 : i32
        %add3A_354 = vector.broadcast %add3A_353 : i32 to vector<16xi32>
        %add3A_355 = arith.addi %broadcast_in_dim3A_275, %add3A_354 : vector<16xi32>
        %gather3A_356 = tpu.vector_load_idx %arg9[%get3A_227, %add3A_355] : memref<3000x8xf32, #tpu.memory_space<vmem>>[vector<16xi32>, vector<16xi32>], vector<16xf32>,
        %bitcast3A_357 = vector.bitcast %gather3A_356 : vector<16xf32> to vector<32xbf16>
        %unpack3A_358 = tpu.unpack_subelements %bitcast3A_357, 0 {pack_format = #tpu.pack_format<interleaved>} : vector<32xbf16> -> vector<16xf32>
        %unpack3A_359 = tpu.unpack_subelements %bitcast3A_357, 1 {pack_format = #tpu.pack_format<interleaved>} : vector<32xbf16> -> vector<16xf32>
        %add3A_360 = arith.constant 2 : i32
        %add3A_361 = vector.broadcast %add3A_360 : i32 to vector<16xi32>
        %add3A_362 = arith.addi %broadcast_in_dim3A_275, %add3A_361 : vector<16xi32>
        %gather3A_363 = tpu.vector_load_idx %arg10[%get3A_272, %add3A_362] : memref<2000x24xf32, #tpu.memory_space<vmem>>[vector<16xi32>, vector<16xi32>], vector<16xf32>,
        %bitcast3A_364 = vector.bitcast %gather3A_363 : vector<16xf32> to vector<32xbf16>
        %unpack3A_365 = tpu.unpack_subelements %bitcast3A_364, 0 {pack_format = #tpu.pack_format<interleaved>} : vector<32xbf16> -> vector<16xf32>
        %unpack3A_366 = tpu.unpack_subelements %bitcast3A_364, 1 {pack_format = #tpu.pack_format<interleaved>} : vector<32xbf16> -> vector<16xf32>
        %mul3A_367 = arith.mulf %unpack3A_358, %unpack3A_365 : vector<16xf32>
        %add3A_368 = arith.addf %add3A_330, %mul3A_367 : vector<16xf32>
        %mul3A_369 = arith.mulf %unpack3A_359, %unpack3A_366 : vector<16xf32>
        %add3A_370 = arith.addf %add3A_368, %mul3A_369 : vector<16xf32>
        %add3A_371 = arith.constant 10 : i32
        %add3A_372 = vector.broadcast %add3A_371 : i32 to vector<16xi32>
        %add3A_373 = arith.addi %broadcast_in_dim3A_275, %add3A_372 : vector<16xi32>
        %gather3A_374 = tpu.vector_load_idx %arg10[%get3A_272, %add3A_373] : memref<2000x24xf32, #tpu.memory_space<vmem>>[vector<16xi32>, vector<16xi32>], vector<16xf32>,
        %bitcast3A_375 = vector.bitcast %gather3A_374 : vector<16xf32> to vector<32xbf16>
        %unpack3A_376 = tpu.unpack_subelements %bitcast3A_375, 0 {pack_format = #tpu.pack_format<interleaved>} : vector<32xbf16> -> vector<16xf32>
        %unpack3A_377 = tpu.unpack_subelements %bitcast3A_375, 1 {pack_format = #tpu.pack_format<interleaved>} : vector<32xbf16> -> vector<16xf32>
        %mul3A_378 = arith.mulf %unpack3A_358, %unpack3A_376 : vector<16xf32>
        %add3A_379 = arith.addf %add3A_341, %mul3A_378 : vector<16xf32>
        %mul3A_380 = arith.mulf %unpack3A_359, %unpack3A_377 : vector<16xf32>
        %add3A_381 = arith.addf %add3A_379, %mul3A_380 : vector<16xf32>
        %add3A_382 = arith.constant 18 : i32
        %add3A_383 = vector.broadcast %add3A_382 : i32 to vector<16xi32>
        %add3A_384 = arith.addi %broadcast_in_dim3A_275, %add3A_383 : vector<16xi32>
        %gather3A_385 = tpu.vector_load_idx %arg10[%get3A_272, %add3A_384] : memref<2000x24xf32, #tpu.memory_space<vmem>>[vector<16xi32>, vector<16xi32>], vector<16xf32>,
        %bitcast3A_386 = vector.bitcast %gather3A_385 : vector<16xf32> to vector<32xbf16>
        %unpack3A_387 = tpu.unpack_subelements %bitcast3A_386, 0 {pack_format = #tpu.pack_format<interleaved>} : vector<32xbf16> -> vector<16xf32>
        %unpack3A_388 = tpu.unpack_subelements %bitcast3A_386, 1 {pack_format = #tpu.pack_format<interleaved>} : vector<32xbf16> -> vector<16xf32>
        %mul3A_389 = arith.mulf %unpack3A_358, %unpack3A_387 : vector<16xf32>
        %add3A_390 = arith.addf %add3A_352, %mul3A_389 : vector<16xf32>
        %mul3A_391 = arith.mulf %unpack3A_359, %unpack3A_388 : vector<16xf32>
        %add3A_392 = arith.addf %add3A_390, %mul3A_391 : vector<16xf32>
        %add3A_393 = arith.constant 3 : i32
        %add3A_394 = vector.broadcast %add3A_393 : i32 to vector<16xi32>
        %add3A_395 = arith.addi %broadcast_in_dim3A_275, %add3A_394 : vector<16xi32>
        %gather3A_396 = tpu.vector_load_idx %arg9[%get3A_227, %add3A_395] : memref<3000x8xf32, #tpu.memory_space<vmem>>[vector<16xi32>, vector<16xi32>], vector<16xf32>,
        %bitcast3A_397 = vector.bitcast %gather3A_396 : vector<16xf32> to vector<32xbf16>
        %unpack3A_398 = tpu.unpack_subelements %bitcast3A_397, 0 {pack_format = #tpu.pack_format<interleaved>} : vector<32xbf16> -> vector<16xf32>
        %unpack3A_399 = tpu.unpack_subelements %bitcast3A_397, 1 {pack_format = #tpu.pack_format<interleaved>} : vector<32xbf16> -> vector<16xf32>
        %add3A_400 = arith.constant 3 : i32
        %add3A_401 = vector.broadcast %add3A_400 : i32 to vector<16xi32>
        %add3A_402 = arith.addi %broadcast_in_dim3A_275, %add3A_401 : vector<16xi32>
        %gather3A_403 = tpu.vector_load_idx %arg10[%get3A_272, %add3A_402] : memref<2000x24xf32, #tpu.memory_space<vmem>>[vector<16xi32>, vector<16xi32>], vector<16xf32>,
        %bitcast3A_404 = vector.bitcast %gather3A_403 : vector<16xf32> to vector<32xbf16>
        %unpack3A_405 = tpu.unpack_subelements %bitcast3A_404, 0 {pack_format = #tpu.pack_format<interleaved>} : vector<32xbf16> -> vector<16xf32>
        %unpack3A_406 = tpu.unpack_subelements %bitcast3A_404, 1 {pack_format = #tpu.pack_format<interleaved>} : vector<32xbf16> -> vector<16xf32>
        %mul3A_407 = arith.mulf %unpack3A_398, %unpack3A_405 : vector<16xf32>
        %add3A_408 = arith.addf %add3A_370, %mul3A_407 : vector<16xf32>
        %mul3A_409 = arith.mulf %unpack3A_399, %unpack3A_406 : vector<16xf32>
        %add3A_410 = arith.addf %add3A_408, %mul3A_409 : vector<16xf32>
        %add3A_411 = arith.constant 11 : i32
        %add3A_412 = vector.broadcast %add3A_411 : i32 to vector<16xi32>
        %add3A_413 = arith.addi %broadcast_in_dim3A_275, %add3A_412 : vector<16xi32>
        %gather3A_414 = tpu.vector_load_idx %arg10[%get3A_272, %add3A_413] : memref<2000x24xf32, #tpu.memory_space<vmem>>[vector<16xi32>, vector<16xi32>], vector<16xf32>,
        %bitcast3A_415 = vector.bitcast %gather3A_414 : vector<16xf32> to vector<32xbf16>
        %unpack3A_416 = tpu.unpack_subelements %bitcast3A_415, 0 {pack_format = #tpu.pack_format<interleaved>} : vector<32xbf16> -> vector<16xf32>
        %unpack3A_417 = tpu.unpack_subelements %bitcast3A_415, 1 {pack_format = #tpu.pack_format<interleaved>} : vector<32xbf16> -> vector<16xf32>
        %mul3A_418 = arith.mulf %unpack3A_398, %unpack3A_416 : vector<16xf32>
        %add3A_419 = arith.addf %add3A_381, %mul3A_418 : vector<16xf32>
        %mul3A_420 = arith.mulf %unpack3A_399, %unpack3A_417 : vector<16xf32>
        %add3A_421 = arith.addf %add3A_419, %mul3A_420 : vector<16xf32>
        %add3A_422 = arith.constant 19 : i32
        %add3A_423 = vector.broadcast %add3A_422 : i32 to vector<16xi32>
        %add3A_424 = arith.addi %broadcast_in_dim3A_275, %add3A_423 : vector<16xi32>
        %gather3A_425 = tpu.vector_load_idx %arg10[%get3A_272, %add3A_424] : memref<2000x24xf32, #tpu.memory_space<vmem>>[vector<16xi32>, vector<16xi32>], vector<16xf32>,
        %bitcast3A_426 = vector.bitcast %gather3A_425 : vector<16xf32> to vector<32xbf16>
        %unpack3A_427 = tpu.unpack_subelements %bitcast3A_426, 0 {pack_format = #tpu.pack_format<interleaved>} : vector<32xbf16> -> vector<16xf32>
        %unpack3A_428 = tpu.unpack_subelements %bitcast3A_426, 1 {pack_format = #tpu.pack_format<interleaved>} : vector<32xbf16> -> vector<16xf32>
        %mul3A_429 = arith.mulf %unpack3A_398, %unpack3A_427 : vector<16xf32>
        %add3A_430 = arith.addf %add3A_392, %mul3A_429 : vector<16xf32>
        %mul3A_431 = arith.mulf %unpack3A_399, %unpack3A_428 : vector<16xf32>
        %add3A_432 = arith.addf %add3A_430, %mul3A_431 : vector<16xf32>
        %add3A_433 = arith.constant 4 : i32
        %add3A_434 = vector.broadcast %add3A_433 : i32 to vector<16xi32>
        %add3A_435 = arith.addi %broadcast_in_dim3A_275, %add3A_434 : vector<16xi32>
        %gather3A_436 = tpu.vector_load_idx %arg9[%get3A_227, %add3A_435] : memref<3000x8xf32, #tpu.memory_space<vmem>>[vector<16xi32>, vector<16xi32>], vector<16xf32>,
        %bitcast3A_437 = vector.bitcast %gather3A_436 : vector<16xf32> to vector<32xbf16>
        %unpack3A_438 = tpu.unpack_subelements %bitcast3A_437, 0 {pack_format = #tpu.pack_format<interleaved>} : vector<32xbf16> -> vector<16xf32>
        %unpack3A_439 = tpu.unpack_subelements %bitcast3A_437, 1 {pack_format = #tpu.pack_format<interleaved>} : vector<32xbf16> -> vector<16xf32>
        %add3A_440 = arith.constant 4 : i32
        %add3A_441 = vector.broadcast %add3A_440 : i32 to vector<16xi32>
        %add3A_442 = arith.addi %broadcast_in_dim3A_275, %add3A_441 : vector<16xi32>
        %gather3A_443 = tpu.vector_load_idx %arg10[%get3A_272, %add3A_442] : memref<2000x24xf32, #tpu.memory_space<vmem>>[vector<16xi32>, vector<16xi32>], vector<16xf32>,
        %bitcast3A_444 = vector.bitcast %gather3A_443 : vector<16xf32> to vector<32xbf16>
        %unpack3A_445 = tpu.unpack_subelements %bitcast3A_444, 0 {pack_format = #tpu.pack_format<interleaved>} : vector<32xbf16> -> vector<16xf32>
        %unpack3A_446 = tpu.unpack_subelements %bitcast3A_444, 1 {pack_format = #tpu.pack_format<interleaved>} : vector<32xbf16> -> vector<16xf32>
        %mul3A_447 = arith.mulf %unpack3A_438, %unpack3A_445 : vector<16xf32>
        %add3A_448 = arith.addf %add3A_410, %mul3A_447 : vector<16xf32>
        %mul3A_449 = arith.mulf %unpack3A_439, %unpack3A_446 : vector<16xf32>
        %add3A_450 = arith.addf %add3A_448, %mul3A_449 : vector<16xf32>
        %add3A_451 = arith.constant 12 : i32
        %add3A_452 = vector.broadcast %add3A_451 : i32 to vector<16xi32>
        %add3A_453 = arith.addi %broadcast_in_dim3A_275, %add3A_452 : vector<16xi32>
        %gather3A_454 = tpu.vector_load_idx %arg10[%get3A_272, %add3A_453] : memref<2000x24xf32, #tpu.memory_space<vmem>>[vector<16xi32>, vector<16xi32>], vector<16xf32>,
        %bitcast3A_455 = vector.bitcast %gather3A_454 : vector<16xf32> to vector<32xbf16>
        %unpack3A_456 = tpu.unpack_subelements %bitcast3A_455, 0 {pack_format = #tpu.pack_format<interleaved>} : vector<32xbf16> -> vector<16xf32>
        %unpack3A_457 = tpu.unpack_subelements %bitcast3A_455, 1 {pack_format = #tpu.pack_format<interleaved>} : vector<32xbf16> -> vector<16xf32>
        %mul3A_458 = arith.mulf %unpack3A_438, %unpack3A_456 : vector<16xf32>
        %add3A_459 = arith.addf %add3A_421, %mul3A_458 : vector<16xf32>
        %mul3A_460 = arith.mulf %unpack3A_439, %unpack3A_457 : vector<16xf32>
        %add3A_461 = arith.addf %add3A_459, %mul3A_460 : vector<16xf32>
        %add3A_462 = arith.constant 20 : i32
        %add3A_463 = vector.broadcast %add3A_462 : i32 to vector<16xi32>
        %add3A_464 = arith.addi %broadcast_in_dim3A_275, %add3A_463 : vector<16xi32>
        %gather3A_465 = tpu.vector_load_idx %arg10[%get3A_272, %add3A_464] : memref<2000x24xf32, #tpu.memory_space<vmem>>[vector<16xi32>, vector<16xi32>], vector<16xf32>,
        %bitcast3A_466 = vector.bitcast %gather3A_465 : vector<16xf32> to vector<32xbf16>
        %unpack3A_467 = tpu.unpack_subelements %bitcast3A_466, 0 {pack_format = #tpu.pack_format<interleaved>} : vector<32xbf16> -> vector<16xf32>
        %unpack3A_468 = tpu.unpack_subelements %bitcast3A_466, 1 {pack_format = #tpu.pack_format<interleaved>} : vector<32xbf16> -> vector<16xf32>
        %mul3A_469 = arith.mulf %unpack3A_438, %unpack3A_467 : vector<16xf32>
        %add3A_470 = arith.addf %add3A_432, %mul3A_469 : vector<16xf32>
        %mul3A_471 = arith.mulf %unpack3A_439, %unpack3A_468 : vector<16xf32>
        %add3A_472 = arith.addf %add3A_470, %mul3A_471 : vector<16xf32>
        %add3A_473 = arith.constant 5 : i32
        %add3A_474 = vector.broadcast %add3A_473 : i32 to vector<16xi32>
        %add3A_475 = arith.addi %broadcast_in_dim3A_275, %add3A_474 : vector<16xi32>
        %gather3A_476 = tpu.vector_load_idx %arg9[%get3A_227, %add3A_475] : memref<3000x8xf32, #tpu.memory_space<vmem>>[vector<16xi32>, vector<16xi32>], vector<16xf32>,
        %bitcast3A_477 = vector.bitcast %gather3A_476 : vector<16xf32> to vector<32xbf16>
        %unpack3A_478 = tpu.unpack_subelements %bitcast3A_477, 0 {pack_format = #tpu.pack_format<interleaved>} : vector<32xbf16> -> vector<16xf32>
        %unpack3A_479 = tpu.unpack_subelements %bitcast3A_477, 1 {pack_format = #tpu.pack_format<interleaved>} : vector<32xbf16> -> vector<16xf32>
        %add3A_480 = arith.constant 5 : i32
        %add3A_481 = vector.broadcast %add3A_480 : i32 to vector<16xi32>
        %add3A_482 = arith.addi %broadcast_in_dim3A_275, %add3A_481 : vector<16xi32>
        %gather3A_483 = tpu.vector_load_idx %arg10[%get3A_272, %add3A_482] : memref<2000x24xf32, #tpu.memory_space<vmem>>[vector<16xi32>, vector<16xi32>], vector<16xf32>,
        %bitcast3A_484 = vector.bitcast %gather3A_483 : vector<16xf32> to vector<32xbf16>
        %unpack3A_485 = tpu.unpack_subelements %bitcast3A_484, 0 {pack_format = #tpu.pack_format<interleaved>} : vector<32xbf16> -> vector<16xf32>
        %unpack3A_486 = tpu.unpack_subelements %bitcast3A_484, 1 {pack_format = #tpu.pack_format<interleaved>} : vector<32xbf16> -> vector<16xf32>
        %mul3A_487 = arith.mulf %unpack3A_478, %unpack3A_485 : vector<16xf32>
        %add3A_488 = arith.addf %add3A_450, %mul3A_487 : vector<16xf32>
        %mul3A_489 = arith.mulf %unpack3A_479, %unpack3A_486 : vector<16xf32>
        %add3A_490 = arith.addf %add3A_488, %mul3A_489 : vector<16xf32>
        %add3A_491 = arith.constant 13 : i32
        %add3A_492 = vector.broadcast %add3A_491 : i32 to vector<16xi32>
        %add3A_493 = arith.addi %broadcast_in_dim3A_275, %add3A_492 : vector<16xi32>
        %gather3A_494 = tpu.vector_load_idx %arg10[%get3A_272, %add3A_493] : memref<2000x24xf32, #tpu.memory_space<vmem>>[vector<16xi32>, vector<16xi32>], vector<16xf32>,
        %bitcast3A_495 = vector.bitcast %gather3A_494 : vector<16xf32> to vector<32xbf16>
        %unpack3A_496 = tpu.unpack_subelements %bitcast3A_495, 0 {pack_format = #tpu.pack_format<interleaved>} : vector<32xbf16> -> vector<16xf32>
        %unpack3A_497 = tpu.unpack_subelements %bitcast3A_495, 1 {pack_format = #tpu.pack_format<interleaved>} : vector<32xbf16> -> vector<16xf32>
        %mul3A_498 = arith.mulf %unpack3A_478, %unpack3A_496 : vector<16xf32>
        %add3A_499 = arith.addf %add3A_461, %mul3A_498 : vector<16xf32>
        %mul3A_500 = arith.mulf %unpack3A_479, %unpack3A_497 : vector<16xf32>
        %add3A_501 = arith.addf %add3A_499, %mul3A_500 : vector<16xf32>
        %add3A_502 = arith.constant 21 : i32
        %add3A_503 = vector.broadcast %add3A_502 : i32 to vector<16xi32>
        %add3A_504 = arith.addi %broadcast_in_dim3A_275, %add3A_503 : vector<16xi32>
        %gather3A_505 = tpu.vector_load_idx %arg10[%get3A_272, %add3A_504] : memref<2000x24xf32, #tpu.memory_space<vmem>>[vector<16xi32>, vector<16xi32>], vector<16xf32>,
        %bitcast3A_506 = vector.bitcast %gather3A_505 : vector<16xf32> to vector<32xbf16>
        %unpack3A_507 = tpu.unpack_subelements %bitcast3A_506, 0 {pack_format = #tpu.pack_format<interleaved>} : vector<32xbf16> -> vector<16xf32>
        %unpack3A_508 = tpu.unpack_subelements %bitcast3A_506, 1 {pack_format = #tpu.pack_format<interleaved>} : vector<32xbf16> -> vector<16xf32>
        %mul3A_509 = arith.mulf %unpack3A_478, %unpack3A_507 : vector<16xf32>
        %add3A_510 = arith.addf %add3A_472, %mul3A_509 : vector<16xf32>
        %mul3A_511 = arith.mulf %unpack3A_479, %unpack3A_508 : vector<16xf32>
        %add3A_512 = arith.addf %add3A_510, %mul3A_511 : vector<16xf32>
        %add3A_513 = arith.constant 6 : i32
        %add3A_514 = vector.broadcast %add3A_513 : i32 to vector<16xi32>
        %add3A_515 = arith.addi %broadcast_in_dim3A_275, %add3A_514 : vector<16xi32>
        %gather3A_516 = tpu.vector_load_idx %arg9[%get3A_227, %add3A_515] : memref<3000x8xf32, #tpu.memory_space<vmem>>[vector<16xi32>, vector<16xi32>], vector<16xf32>,
        %bitcast3A_517 = vector.bitcast %gather3A_516 : vector<16xf32> to vector<32xbf16>
        %unpack3A_518 = tpu.unpack_subelements %bitcast3A_517, 0 {pack_format = #tpu.pack_format<interleaved>} : vector<32xbf16> -> vector<16xf32>
        %unpack3A_519 = tpu.unpack_subelements %bitcast3A_517, 1 {pack_format = #tpu.pack_format<interleaved>} : vector<32xbf16> -> vector<16xf32>
        %add3A_520 = arith.constant 6 : i32
        %add3A_521 = vector.broadcast %add3A_520 : i32 to vector<16xi32>
        %add3A_522 = arith.addi %broadcast_in_dim3A_275, %add3A_521 : vector<16xi32>
        %gather3A_523 = tpu.vector_load_idx %arg10[%get3A_272, %add3A_522] : memref<2000x24xf32, #tpu.memory_space<vmem>>[vector<16xi32>, vector<16xi32>], vector<16xf32>,
        %bitcast3A_524 = vector.bitcast %gather3A_523 : vector<16xf32> to vector<32xbf16>
        %unpack3A_525 = tpu.unpack_subelements %bitcast3A_524, 0 {pack_format = #tpu.pack_format<interleaved>} : vector<32xbf16> -> vector<16xf32>
        %unpack3A_526 = tpu.unpack_subelements %bitcast3A_524, 1 {pack_format = #tpu.pack_format<interleaved>} : vector<32xbf16> -> vector<16xf32>
        %mul3A_527 = arith.mulf %unpack3A_518, %unpack3A_525 : vector<16xf32>
        %add3A_528 = arith.addf %add3A_490, %mul3A_527 : vector<16xf32>
        %mul3A_529 = arith.mulf %unpack3A_519, %unpack3A_526 : vector<16xf32>
        %add3A_530 = arith.addf %add3A_528, %mul3A_529 : vector<16xf32>
        %add3A_531 = arith.constant 14 : i32
        %add3A_532 = vector.broadcast %add3A_531 : i32 to vector<16xi32>
        %add3A_533 = arith.addi %broadcast_in_dim3A_275, %add3A_532 : vector<16xi32>
        %gather3A_534 = tpu.vector_load_idx %arg10[%get3A_272, %add3A_533] : memref<2000x24xf32, #tpu.memory_space<vmem>>[vector<16xi32>, vector<16xi32>], vector<16xf32>,
        %bitcast3A_535 = vector.bitcast %gather3A_534 : vector<16xf32> to vector<32xbf16>
        %unpack3A_536 = tpu.unpack_subelements %bitcast3A_535, 0 {pack_format = #tpu.pack_format<interleaved>} : vector<32xbf16> -> vector<16xf32>
        %unpack3A_537 = tpu.unpack_subelements %bitcast3A_535, 1 {pack_format = #tpu.pack_format<interleaved>} : vector<32xbf16> -> vector<16xf32>
        %mul3A_538 = arith.mulf %unpack3A_518, %unpack3A_536 : vector<16xf32>
        %add3A_539 = arith.addf %add3A_501, %mul3A_538 : vector<16xf32>
        %mul3A_540 = arith.mulf %unpack3A_519, %unpack3A_537 : vector<16xf32>
        %add3A_541 = arith.addf %add3A_539, %mul3A_540 : vector<16xf32>
        %add3A_542 = arith.constant 22 : i32
        %add3A_543 = vector.broadcast %add3A_542 : i32 to vector<16xi32>
        %add3A_544 = arith.addi %broadcast_in_dim3A_275, %add3A_543 : vector<16xi32>
        %gather3A_545 = tpu.vector_load_idx %arg10[%get3A_272, %add3A_544] : memref<2000x24xf32, #tpu.memory_space<vmem>>[vector<16xi32>, vector<16xi32>], vector<16xf32>,
        %bitcast3A_546 = vector.bitcast %gather3A_545 : vector<16xf32> to vector<32xbf16>
        %unpack3A_547 = tpu.unpack_subelements %bitcast3A_546, 0 {pack_format = #tpu.pack_format<interleaved>} : vector<32xbf16> -> vector<16xf32>
        %unpack3A_548 = tpu.unpack_subelements %bitcast3A_546, 1 {pack_format = #tpu.pack_format<interleaved>} : vector<32xbf16> -> vector<16xf32>
        %mul3A_549 = arith.mulf %unpack3A_518, %unpack3A_547 : vector<16xf32>
        %add3A_550 = arith.addf %add3A_512, %mul3A_549 : vector<16xf32>
        %mul3A_551 = arith.mulf %unpack3A_519, %unpack3A_548 : vector<16xf32>
        %add3A_552 = arith.addf %add3A_550, %mul3A_551 : vector<16xf32>
        %add3A_553 = arith.constant 7 : i32
        %add3A_554 = vector.broadcast %add3A_553 : i32 to vector<16xi32>
        %add3A_555 = arith.addi %broadcast_in_dim3A_275, %add3A_554 : vector<16xi32>
        %gather3A_556 = tpu.vector_load_idx %arg9[%get3A_227, %add3A_555] : memref<3000x8xf32, #tpu.memory_space<vmem>>[vector<16xi32>, vector<16xi32>], vector<16xf32>,
        %bitcast3A_557 = vector.bitcast %gather3A_556 : vector<16xf32> to vector<32xbf16>
        %unpack3A_558 = tpu.unpack_subelements %bitcast3A_557, 0 {pack_format = #tpu.pack_format<interleaved>} : vector<32xbf16> -> vector<16xf32>
        %unpack3A_559 = tpu.unpack_subelements %bitcast3A_557, 1 {pack_format = #tpu.pack_format<interleaved>} : vector<32xbf16> -> vector<16xf32>
        %add3A_560 = arith.constant 7 : i32
        %add3A_561 = vector.broadcast %add3A_560 : i32 to vector<16xi32>
        %add3A_562 = arith.addi %broadcast_in_dim3A_275, %add3A_561 : vector<16xi32>
        %gather3A_563 = tpu.vector_load_idx %arg10[%get3A_272, %add3A_562] : memref<2000x24xf32, #tpu.memory_space<vmem>>[vector<16xi32>, vector<16xi32>], vector<16xf32>,
        %bitcast3A_564 = vector.bitcast %gather3A_563 : vector<16xf32> to vector<32xbf16>
        %unpack3A_565 = tpu.unpack_subelements %bitcast3A_564, 0 {pack_format = #tpu.pack_format<interleaved>} : vector<32xbf16> -> vector<16xf32>
        %unpack3A_566 = tpu.unpack_subelements %bitcast3A_564, 1 {pack_format = #tpu.pack_format<interleaved>} : vector<32xbf16> -> vector<16xf32>
        %mul3A_567 = arith.mulf %unpack3A_558, %unpack3A_565 : vector<16xf32>
        %add3A_568 = arith.addf %add3A_530, %mul3A_567 : vector<16xf32>
        %mul3A_569 = arith.mulf %unpack3A_559, %unpack3A_566 : vector<16xf32>
        %add3A_570 = arith.addf %add3A_568, %mul3A_569 : vector<16xf32>
        %add3A_571 = arith.constant 15 : i32
        %add3A_572 = vector.broadcast %add3A_571 : i32 to vector<16xi32>
        %add3A_573 = arith.addi %broadcast_in_dim3A_275, %add3A_572 : vector<16xi32>
        %gather3A_574 = tpu.vector_load_idx %arg10[%get3A_272, %add3A_573] : memref<2000x24xf32, #tpu.memory_space<vmem>>[vector<16xi32>, vector<16xi32>], vector<16xf32>,
        %bitcast3A_575 = vector.bitcast %gather3A_574 : vector<16xf32> to vector<32xbf16>
        %unpack3A_576 = tpu.unpack_subelements %bitcast3A_575, 0 {pack_format = #tpu.pack_format<interleaved>} : vector<32xbf16> -> vector<16xf32>
        %unpack3A_577 = tpu.unpack_subelements %bitcast3A_575, 1 {pack_format = #tpu.pack_format<interleaved>} : vector<32xbf16> -> vector<16xf32>
        %mul3A_578 = arith.mulf %unpack3A_558, %unpack3A_576 : vector<16xf32>
        %add3A_579 = arith.addf %add3A_541, %mul3A_578 : vector<16xf32>
        %mul3A_580 = arith.mulf %unpack3A_559, %unpack3A_577 : vector<16xf32>
        %add3A_581 = arith.addf %add3A_579, %mul3A_580 : vector<16xf32>
        %add3A_582 = arith.constant 23 : i32
        %add3A_583 = vector.broadcast %add3A_582 : i32 to vector<16xi32>
        %add3A_584 = arith.addi %broadcast_in_dim3A_275, %add3A_583 : vector<16xi32>
        %gather3A_585 = tpu.vector_load_idx %arg10[%get3A_272, %add3A_584] : memref<2000x24xf32, #tpu.memory_space<vmem>>[vector<16xi32>, vector<16xi32>], vector<16xf32>,
        %bitcast3A_586 = vector.bitcast %gather3A_585 : vector<16xf32> to vector<32xbf16>
        %unpack3A_587 = tpu.unpack_subelements %bitcast3A_586, 0 {pack_format = #tpu.pack_format<interleaved>} : vector<32xbf16> -> vector<16xf32>
        %unpack3A_588 = tpu.unpack_subelements %bitcast3A_586, 1 {pack_format = #tpu.pack_format<interleaved>} : vector<32xbf16> -> vector<16xf32>
        %mul3A_589 = arith.mulf %unpack3A_558, %unpack3A_587 : vector<16xf32>
        %add3A_590 = arith.addf %add3A_552, %mul3A_589 : vector<16xf32>
        %mul3A_591 = arith.mulf %unpack3A_559, %unpack3A_588 : vector<16xf32>
        %add3A_592 = arith.addf %add3A_590, %mul3A_591 : vector<16xf32>
        %mul3A_593 = arith.constant 16 : i32
        %mul3A_594 = arith.muli %scan3A_182, %mul3A_593 : i32
        %swap3A = arith.constant 0 : i32
        %swap3A_595 = arith.index_cast %swap3A : i32 to index
        %swap3A_596 = arith.index_cast %mul3A_594 : i32 to index
        %swap3A_597 = tpu.vector_load %arg13[%swap3A_595, %swap3A_596] {strides = array<i32>} : memref<3x3584xf32, #tpu.memory_space<vmem>>, vector<16xf32>,
        tpu.vector_store %arg13[%swap3A_595, %swap3A_596], %add3A_570 {strides = array<i32>} : memref<3x3584xf32, #tpu.memory_space<vmem>>, vector<16xf32>,
        %mul3A_598 = arith.constant 16 : i32
        %mul3A_599 = arith.muli %scan3A_182, %mul3A_598 : i32
        %swap3A_600 = arith.constant 1 : i32
        %swap3A_601 = arith.index_cast %swap3A_600 : i32 to index
        %swap3A_602 = arith.index_cast %mul3A_599 : i32 to index
        %swap3A_603 = tpu.vector_load %arg13[%swap3A_601, %swap3A_602] {strides = array<i32>} : memref<3x3584xf32, #tpu.memory_space<vmem>>, vector<16xf32>,
        tpu.vector_store %arg13[%swap3A_601, %swap3A_602], %add3A_581 {strides = array<i32>} : memref<3x3584xf32, #tpu.memory_space<vmem>>, vector<16xf32>,
        %mul3A_604 = arith.constant 16 : i32
        %mul3A_605 = arith.muli %scan3A_182, %mul3A_604 : i32
        %swap3A_606 = arith.constant 2 : i32
        %swap3A_607 = arith.index_cast %swap3A_606 : i32 to index
        %swap3A_608 = arith.index_cast %mul3A_605 : i32 to index
        %swap3A_609 = tpu.vector_load %arg13[%swap3A_607, %swap3A_608] {strides = array<i32>} : memref<3x3584xf32, #tpu.memory_space<vmem>>, vector<16xf32>,
        tpu.vector_store %arg13[%swap3A_607, %swap3A_608], %add3A_592 {strides = array<i32>} : memref<3x3584xf32, #tpu.memory_space<vmem>>, vector<16xf32>,
      }
      %scan3A_181 = arith.constant 224 : i32
      "tpu.region"() ({
        %run_scoped3A = tpu.sem_alloc : memref<!tpu.dma_semaphore, #tpu.memory_space<semaphore_mem>>
        %dma_start3A = arith.constant 0 : i32
        %dma_start3A_182 = arith.constant 0 : i32
        %dma_start3A_183 = tpu.memref_slice %arg8[%select_n3A_28, %add3A_30, %scan3A_148, %dma_start3A, %dma_start3A_182] : memref<8x4x14x3x3584xf32, #tpu.memory_space<hbm>> -> memref<1x1x1x3x3584xf32, #tpu.memory_space<hbm>>
        %dma_start3A_184 = tpu.memref_squeeze %dma_start3A_183 : memref<1x1x1x3x3584xf32, #tpu.memory_space<hbm>> -> memref<3x3584xf32, #tpu.memory_space<hbm>>
        %dma_start3A_185 = arith.constant 0 : i32
        %dma_start3A_186 = arith.constant 0 : i32
        %dma_start3A_187 = tpu.memref_slice %arg8[%select_n3A_28, %add3A_30, %scan3A_148, %dma_start3A_185, %dma_start3A_186] : memref<8x4x14x3x3584xf32, #tpu.memory_space<hbm>> -> memref<1x1x1x3x3584xf32, #tpu.memory_space<hbm>>
        %dma_start3A_188 = tpu.memref_squeeze %dma_start3A_187 : memref<1x1x1x3x3584xf32, #tpu.memory_space<hbm>> -> memref<3x3584xf32, #tpu.memory_space<hbm>>
        tpu.enqueue_dma source(%arg13 : memref<3x3584xf32, #tpu.memory_space<vmem>>) target(%dma_start3A_188 : memref<3x3584xf32, #tpu.memory_space<hbm>>) target_semaphore(%run_scoped3A : memref<!tpu.dma_semaphore, #tpu.memory_space<semaphore_mem>>)
        %dma_wait3A = arith.constant 0 : i32
        %dma_wait3A_189 = arith.constant 0 : i32
        %dma_wait3A_190 = tpu.memref_slice %arg8[%select_n3A_28, %add3A_30, %scan3A_148, %dma_wait3A, %dma_wait3A_189] : memref<8x4x14x3x3584xf32, #tpu.memory_space<hbm>> -> memref<1x1x1x3x3584xf32, #tpu.memory_space<hbm>>
        %dma_wait3A_191 = tpu.memref_squeeze %dma_wait3A_190 : memref<1x1x1x3x3584xf32, #tpu.memory_space<hbm>> -> memref<3x3584xf32, #tpu.memory_space<hbm>>
        %dma_wait3A_192 = arith.constant 0 : i32
        %dma_wait3A_193 = arith.constant 0 : i32
        %dma_wait3A_194 = tpu.memref_slice %arg8[%select_n3A_28, %add3A_30, %scan3A_148, %dma_wait3A_192, %dma_wait3A_193] : memref<8x4x14x3x3584xf32, #tpu.memory_space<hbm>> -> memref<1x1x1x3x3584xf32, #tpu.memory_space<hbm>>
        %dma_wait3A_195 = tpu.memref_squeeze %dma_wait3A_194 : memref<1x1x1x3x3584xf32, #tpu.memory_space<hbm>> -> memref<3x3584xf32, #tpu.memory_space<hbm>>
        tpu.wait_dma2 semaphore(%run_scoped3A : memref<!tpu.dma_semaphore, #tpu.memory_space<semaphore_mem>>) src(%arg13 : memref<3x3584xf32, #tpu.memory_space<vmem>>) dst(%dma_wait3A_195 : memref<3x3584xf32, #tpu.memory_space<hbm>>)
        tpu.yield
      }) : () -> ()
    }
    %scan3A_141 = arith.constant 14 : i32
    %barrier3A = arith.constant 0 : index
    tpu.barrier barrier_id(%barrier3A)
    %scan3A_142 = arith.constant 0 : i32
    %scan3A_143 = arith.constant 0 : i32
    %scan3A_144 = arith.constant 14 : i32
    %scan3A_145 = arith.addi %scan3A_143, %scan3A_144 : i32
    %scan3A_146 = arith.constant 1 : i32
    scf.for %scan3A_148 = %scan3A_143 to %scan3A_145 step %scan3A_146  : i32 {
      "tpu.region"() ({
        %run_scoped3A = tpu.sem_alloc : memref<!tpu.dma_semaphore, #tpu.memory_space<semaphore_mem>>
        %dma_start3A = arith.constant 0 : i32
        %dma_start3A_161 = arith.constant 0 : i32
        %dma_start3A_162 = tpu.memref_slice %arg8[%dma_start3A, %add3A_118, %scan3A_148, %dma_start3A_161, %mul3A_136] : memref<8x4x14x3x3584xf32, #tpu.memory_space<hbm>> -> memref<8x1x1x3x448xf32, #tpu.memory_space<hbm>>
        %dma_start3A_163 = tpu.memref_squeeze %dma_start3A_162 : memref<8x1x1x3x448xf32, #tpu.memory_space<hbm>> -> memref<8x3x448xf32, #tpu.memory_space<hbm>>
        %dma_start3A_164 = arith.constant 0 : i32
        %dma_start3A_165 = arith.constant 0 : i32
        %dma_start3A_166 = tpu.memref_slice %arg8[%dma_start3A_164, %add3A_118, %scan3A_148, %dma_start3A_165, %mul3A_136] : memref<8x4x14x3x3584xf32, #tpu.memory_space<hbm>> -> memref<8x1x1x3x448xf32, #tpu.memory_space<hbm>>
        %dma_start3A_167 = tpu.memref_squeeze %dma_start3A_166 : memref<8x1x1x3x448xf32, #tpu.memory_space<hbm>> -> memref<8x3x448xf32, #tpu.memory_space<hbm>>
        tpu.enqueue_dma source(%dma_start3A_167 : memref<8x3x448xf32, #tpu.memory_space<hbm>>) target(%arg14 : memref<8x3x448xf32, #tpu.memory_space<vmem>>) target_semaphore(%run_scoped3A : memref<!tpu.dma_semaphore, #tpu.memory_space<semaphore_mem>>)
        %dma_wait3A = arith.constant 0 : i32
        %dma_wait3A_168 = arith.constant 0 : i32
        %dma_wait3A_169 = tpu.memref_slice %arg8[%dma_wait3A, %add3A_118, %scan3A_148, %dma_wait3A_168, %mul3A_136] : memref<8x4x14x3x3584xf32, #tpu.memory_space<hbm>> -> memref<8x1x1x3x448xf32, #tpu.memory_space<hbm>>
        %dma_wait3A_170 = tpu.memref_squeeze %dma_wait3A_169 : memref<8x1x1x3x448xf32, #tpu.memory_space<hbm>> -> memref<8x3x448xf32, #tpu.memory_space<hbm>>
        %dma_wait3A_171 = arith.constant 0 : i32
        %dma_wait3A_172 = arith.constant 0 : i32
        %dma_wait3A_173 = tpu.memref_slice %arg8[%dma_wait3A_171, %add3A_118, %scan3A_148, %dma_wait3A_172, %mul3A_136] : memref<8x4x14x3x3584xf32, #tpu.memory_space<hbm>> -> memref<8x1x1x3x448xf32, #tpu.memory_space<hbm>>
        %dma_wait3A_174 = tpu.memref_squeeze %dma_wait3A_173 : memref<8x1x1x3x448xf32, #tpu.memory_space<hbm>> -> memref<8x3x448xf32, #tpu.memory_space<hbm>>
        tpu.wait_dma2 semaphore(%run_scoped3A : memref<!tpu.dma_semaphore, #tpu.memory_space<semaphore_mem>>) src(%dma_wait3A_174 : memref<8x3x448xf32, #tpu.memory_space<hbm>>) dst(%arg14 : memref<8x3x448xf32, #tpu.memory_space<vmem>>)
        tpu.yield
      }) : () -> ()
      %scan3A_149 = arith.constant 0 : i32
      %scan3A_150 = arith.constant 0 : i32
      %scan3A_151 = arith.constant 28 : i32
      %scan3A_152 = arith.addi %scan3A_150, %scan3A_151 : i32
      %scan3A_153 = arith.constant 1 : i32
      scf.for %scan3A_161 = %scan3A_150 to %scan3A_152 step %scan3A_153  : i32 {
        %mul3A_162 = arith.constant 16 : i32
        %mul3A_163 = arith.muli %scan3A_161, %mul3A_162 : i32
        %get3A_164 = arith.constant 0 : i32
        %get3A_165 = arith.constant 0 : i32
        %get3A_166 = arith.index_cast %get3A_164 : i32 to index
        %get3A_167 = arith.index_cast %get3A_165 : i32 to index
        %get3A_168 = arith.index_cast %mul3A_163 : i32 to index
        %get3A_169 = tpu.vector_load %arg14[%get3A_166, %get3A_167, %get3A_168] {strides = array<i32>} : memref<8x3x448xf32, #tpu.memory_space<vmem>>, vector<16xf32>,
        %mul3A_170 = arith.constant 16 : i32
        %mul3A_171 = arith.muli %scan3A_161, %mul3A_170 : i32
        %get3A_172 = arith.constant 1 : i32
        %get3A_173 = arith.constant 0 : i32
        %get3A_174 = arith.index_cast %get3A_172 : i32 to index
        %get3A_175 = arith.index_cast %get3A_173 : i32 to index
        %get3A_176 = arith.index_cast %mul3A_171 : i32 to index
        %get3A_177 = tpu.vector_load %arg14[%get3A_174, %get3A_175, %get3A_176] {strides = array<i32>} : memref<8x3x448xf32, #tpu.memory_space<vmem>>, vector<16xf32>,
        %add3A_178 = arith.addf %get3A_169, %get3A_177 : vector<16xf32>
        %mul3A_179 = arith.constant 16 : i32
        %mul3A_180 = arith.muli %scan3A_161, %mul3A_179 : i32
        %get3A_181 = arith.constant 2 : i32
        %get3A_182 = arith.constant 0 : i32
        %get3A_183 = arith.index_cast %get3A_181 : i32 to index
        %get3A_184 = arith.index_cast %get3A_182 : i32 to index
        %get3A_185 = arith.index_cast %mul3A_180 : i32 to index
        %get3A_186 = tpu.vector_load %arg14[%get3A_183, %get3A_184, %get3A_185] {strides = array<i32>} : memref<8x3x448xf32, #tpu.memory_space<vmem>>, vector<16xf32>,
        %add3A_187 = arith.addf %add3A_178, %get3A_186 : vector<16xf32>
        %mul3A_188 = arith.constant 16 : i32
        %mul3A_189 = arith.muli %scan3A_161, %mul3A_188 : i32
        %get3A_190 = arith.constant 3 : i32
        %get3A_191 = arith.constant 0 : i32
        %get3A_192 = arith.index_cast %get3A_190 : i32 to index
        %get3A_193 = arith.index_cast %get3A_191 : i32 to index
        %get3A_194 = arith.index_cast %mul3A_189 : i32 to index
        %get3A_195 = tpu.vector_load %arg14[%get3A_192, %get3A_193, %get3A_194] {strides = array<i32>} : memref<8x3x448xf32, #tpu.memory_space<vmem>>, vector<16xf32>,
        %add3A_196 = arith.addf %add3A_187, %get3A_195 : vector<16xf32>
        %mul3A_197 = arith.constant 16 : i32
        %mul3A_198 = arith.muli %scan3A_161, %mul3A_197 : i32
        %get3A_199 = arith.constant 4 : i32
        %get3A_200 = arith.constant 0 : i32
        %get3A_201 = arith.index_cast %get3A_199 : i32 to index
        %get3A_202 = arith.index_cast %get3A_200 : i32 to index
        %get3A_203 = arith.index_cast %mul3A_198 : i32 to index
        %get3A_204 = tpu.vector_load %arg14[%get3A_201, %get3A_202, %get3A_203] {strides = array<i32>} : memref<8x3x448xf32, #tpu.memory_space<vmem>>, vector<16xf32>,
        %add3A_205 = arith.addf %add3A_196, %get3A_204 : vector<16xf32>
        %mul3A_206 = arith.constant 16 : i32
        %mul3A_207 = arith.muli %scan3A_161, %mul3A_206 : i32
        %get3A_208 = arith.constant 5 : i32
        %get3A_209 = arith.constant 0 : i32
        %get3A_210 = arith.index_cast %get3A_208 : i32 to index
        %get3A_211 = arith.index_cast %get3A_209 : i32 to index
        %get3A_212 = arith.index_cast %mul3A_207 : i32 to index
        %get3A_213 = tpu.vector_load %arg14[%get3A_210, %get3A_211, %get3A_212] {strides = array<i32>} : memref<8x3x448xf32, #tpu.memory_space<vmem>>, vector<16xf32>,
        %add3A_214 = arith.addf %add3A_205, %get3A_213 : vector<16xf32>
        %mul3A_215 = arith.constant 16 : i32
        %mul3A_216 = arith.muli %scan3A_161, %mul3A_215 : i32
        %get3A_217 = arith.constant 6 : i32
        %get3A_218 = arith.constant 0 : i32
        %get3A_219 = arith.index_cast %get3A_217 : i32 to index
        %get3A_220 = arith.index_cast %get3A_218 : i32 to index
        %get3A_221 = arith.index_cast %mul3A_216 : i32 to index
        %get3A_222 = tpu.vector_load %arg14[%get3A_219, %get3A_220, %get3A_221] {strides = array<i32>} : memref<8x3x448xf32, #tpu.memory_space<vmem>>, vector<16xf32>,
        %add3A_223 = arith.addf %add3A_214, %get3A_222 : vector<16xf32>
        %mul3A_224 = arith.constant 16 : i32
        %mul3A_225 = arith.muli %scan3A_161, %mul3A_224 : i32
        %get3A_226 = arith.constant 7 : i32
        %get3A_227 = arith.constant 0 : i32
        %get3A_228 = arith.index_cast %get3A_226 : i32 to index
        %get3A_229 = arith.index_cast %get3A_227 : i32 to index
        %get3A_230 = arith.index_cast %mul3A_225 : i32 to index
        %get3A_231 = tpu.vector_load %arg14[%get3A_228, %get3A_229, %get3A_230] {strides = array<i32>} : memref<8x3x448xf32, #tpu.memory_space<vmem>>, vector<16xf32>,
        %add3A_232 = arith.addf %add3A_223, %get3A_231 : vector<16xf32>
        %mul3A_233 = arith.constant 16 : i32
        %mul3A_234 = arith.muli %scan3A_161, %mul3A_233 : i32
        %get3A_235 = arith.constant 0 : i32
        %get3A_236 = arith.constant 1 : i32
        %get3A_237 = arith.index_cast %get3A_235 : i32 to index
        %get3A_238 = arith.index_cast %get3A_236 : i32 to index
        %get3A_239 = arith.index_cast %mul3A_234 : i32 to index
        %get3A_240 = tpu.vector_load %arg14[%get3A_237, %get3A_238, %get3A_239] {strides = array<i32>} : memref<8x3x448xf32, #tpu.memory_space<vmem>>, vector<16xf32>,
        %mul3A_241 = arith.constant 16 : i32
        %mul3A_242 = arith.muli %scan3A_161, %mul3A_241 : i32
        %get3A_243 = arith.constant 1 : i32
        %get3A_244 = arith.constant 1 : i32
        %get3A_245 = arith.index_cast %get3A_243 : i32 to index
        %get3A_246 = arith.index_cast %get3A_244 : i32 to index
        %get3A_247 = arith.index_cast %mul3A_242 : i32 to index
        %get3A_248 = tpu.vector_load %arg14[%get3A_245, %get3A_246, %get3A_247] {strides = array<i32>} : memref<8x3x448xf32, #tpu.memory_space<vmem>>, vector<16xf32>,
        %add3A_249 = arith.addf %get3A_240, %get3A_248 : vector<16xf32>
        %mul3A_250 = arith.constant 16 : i32
        %mul3A_251 = arith.muli %scan3A_161, %mul3A_250 : i32
        %get3A_252 = arith.constant 2 : i32
        %get3A_253 = arith.constant 1 : i32
        %get3A_254 = arith.index_cast %get3A_252 : i32 to index
        %get3A_255 = arith.index_cast %get3A_253 : i32 to index
        %get3A_256 = arith.index_cast %mul3A_251 : i32 to index
        %get3A_257 = tpu.vector_load %arg14[%get3A_254, %get3A_255, %get3A_256] {strides = array<i32>} : memref<8x3x448xf32, #tpu.memory_space<vmem>>, vector<16xf32>,
        %add3A_258 = arith.addf %add3A_249, %get3A_257 : vector<16xf32>
        %mul3A_259 = arith.constant 16 : i32
        %mul3A_260 = arith.muli %scan3A_161, %mul3A_259 : i32
        %get3A_261 = arith.constant 3 : i32
        %get3A_262 = arith.constant 1 : i32
        %get3A_263 = arith.index_cast %get3A_261 : i32 to index
        %get3A_264 = arith.index_cast %get3A_262 : i32 to index
        %get3A_265 = arith.index_cast %mul3A_260 : i32 to index
        %get3A_266 = tpu.vector_load %arg14[%get3A_263, %get3A_264, %get3A_265] {strides = array<i32>} : memref<8x3x448xf32, #tpu.memory_space<vmem>>, vector<16xf32>,
        %add3A_267 = arith.addf %add3A_258, %get3A_266 : vector<16xf32>
        %mul3A_268 = arith.constant 16 : i32
        %mul3A_269 = arith.muli %scan3A_161, %mul3A_268 : i32
        %get3A_270 = arith.constant 4 : i32
        %get3A_271 = arith.constant 1 : i32
        %get3A_272 = arith.index_cast %get3A_270 : i32 to index
        %get3A_273 = arith.index_cast %get3A_271 : i32 to index
        %get3A_274 = arith.index_cast %mul3A_269 : i32 to index
        %get3A_275 = tpu.vector_load %arg14[%get3A_272, %get3A_273, %get3A_274] {strides = array<i32>} : memref<8x3x448xf32, #tpu.memory_space<vmem>>, vector<16xf32>,
        %add3A_276 = arith.addf %add3A_267, %get3A_275 : vector<16xf32>
        %mul3A_277 = arith.constant 16 : i32
        %mul3A_278 = arith.muli %scan3A_161, %mul3A_277 : i32
        %get3A_279 = arith.constant 5 : i32
        %get3A_280 = arith.constant 1 : i32
        %get3A_281 = arith.index_cast %get3A_279 : i32 to index
        %get3A_282 = arith.index_cast %get3A_280 : i32 to index
        %get3A_283 = arith.index_cast %mul3A_278 : i32 to index
        %get3A_284 = tpu.vector_load %arg14[%get3A_281, %get3A_282, %get3A_283] {strides = array<i32>} : memref<8x3x448xf32, #tpu.memory_space<vmem>>, vector<16xf32>,
        %add3A_285 = arith.addf %add3A_276, %get3A_284 : vector<16xf32>
        %mul3A_286 = arith.constant 16 : i32
        %mul3A_287 = arith.muli %scan3A_161, %mul3A_286 : i32
        %get3A_288 = arith.constant 6 : i32
        %get3A_289 = arith.constant 1 : i32
        %get3A_290 = arith.index_cast %get3A_288 : i32 to index
        %get3A_291 = arith.index_cast %get3A_289 : i32 to index
        %get3A_292 = arith.index_cast %mul3A_287 : i32 to index
        %get3A_293 = tpu.vector_load %arg14[%get3A_290, %get3A_291, %get3A_292] {strides = array<i32>} : memref<8x3x448xf32, #tpu.memory_space<vmem>>, vector<16xf32>,
        %add3A_294 = arith.addf %add3A_285, %get3A_293 : vector<16xf32>
        %mul3A_295 = arith.constant 16 : i32
        %mul3A_296 = arith.muli %scan3A_161, %mul3A_295 : i32
        %get3A_297 = arith.constant 7 : i32
        %get3A_298 = arith.constant 1 : i32
        %get3A_299 = arith.index_cast %get3A_297 : i32 to index
        %get3A_300 = arith.index_cast %get3A_298 : i32 to index
        %get3A_301 = arith.index_cast %mul3A_296 : i32 to index
        %get3A_302 = tpu.vector_load %arg14[%get3A_299, %get3A_300, %get3A_301] {strides = array<i32>} : memref<8x3x448xf32, #tpu.memory_space<vmem>>, vector<16xf32>,
        %add3A_303 = arith.addf %add3A_294, %get3A_302 : vector<16xf32>
        %mul3A_304 = arith.constant 16 : i32
        %mul3A_305 = arith.muli %scan3A_161, %mul3A_304 : i32
        %get3A_306 = arith.constant 0 : i32
        %get3A_307 = arith.constant 2 : i32
        %get3A_308 = arith.index_cast %get3A_306 : i32 to index
        %get3A_309 = arith.index_cast %get3A_307 : i32 to index
        %get3A_310 = arith.index_cast %mul3A_305 : i32 to index
        %get3A_311 = tpu.vector_load %arg14[%get3A_308, %get3A_309, %get3A_310] {strides = array<i32>} : memref<8x3x448xf32, #tpu.memory_space<vmem>>, vector<16xf32>,
        %mul3A_312 = arith.constant 16 : i32
        %mul3A_313 = arith.muli %scan3A_161, %mul3A_312 : i32
        %get3A_314 = arith.constant 1 : i32
        %get3A_315 = arith.constant 2 : i32
        %get3A_316 = arith.index_cast %get3A_314 : i32 to index
        %get3A_317 = arith.index_cast %get3A_315 : i32 to index
        %get3A_318 = arith.index_cast %mul3A_313 : i32 to index
        %get3A_319 = tpu.vector_load %arg14[%get3A_316, %get3A_317, %get3A_318] {strides = array<i32>} : memref<8x3x448xf32, #tpu.memory_space<vmem>>, vector<16xf32>,
        %add3A_320 = arith.addf %get3A_311, %get3A_319 : vector<16xf32>
        %mul3A_321 = arith.constant 16 : i32
        %mul3A_322 = arith.muli %scan3A_161, %mul3A_321 : i32
        %get3A_323 = arith.constant 2 : i32
        %get3A_324 = arith.constant 2 : i32
        %get3A_325 = arith.index_cast %get3A_323 : i32 to index
        %get3A_326 = arith.index_cast %get3A_324 : i32 to index
        %get3A_327 = arith.index_cast %mul3A_322 : i32 to index
        %get3A_328 = tpu.vector_load %arg14[%get3A_325, %get3A_326, %get3A_327] {strides = array<i32>} : memref<8x3x448xf32, #tpu.memory_space<vmem>>, vector<16xf32>,
        %add3A_329 = arith.addf %add3A_320, %get3A_328 : vector<16xf32>
        %mul3A_330 = arith.constant 16 : i32
        %mul3A_331 = arith.muli %scan3A_161, %mul3A_330 : i32
        %get3A_332 = arith.constant 3 : i32
        %get3A_333 = arith.constant 2 : i32
        %get3A_334 = arith.index_cast %get3A_332 : i32 to index
        %get3A_335 = arith.index_cast %get3A_333 : i32 to index
        %get3A_336 = arith.index_cast %mul3A_331 : i32 to index
        %get3A_337 = tpu.vector_load %arg14[%get3A_334, %get3A_335, %get3A_336] {strides = array<i32>} : memref<8x3x448xf32, #tpu.memory_space<vmem>>, vector<16xf32>,
        %add3A_338 = arith.addf %add3A_329, %get3A_337 : vector<16xf32>
        %mul3A_339 = arith.constant 16 : i32
        %mul3A_340 = arith.muli %scan3A_161, %mul3A_339 : i32
        %get3A_341 = arith.constant 4 : i32
        %get3A_342 = arith.constant 2 : i32
        %get3A_343 = arith.index_cast %get3A_341 : i32 to index
        %get3A_344 = arith.index_cast %get3A_342 : i32 to index
        %get3A_345 = arith.index_cast %mul3A_340 : i32 to index
        %get3A_346 = tpu.vector_load %arg14[%get3A_343, %get3A_344, %get3A_345] {strides = array<i32>} : memref<8x3x448xf32, #tpu.memory_space<vmem>>, vector<16xf32>,
        %add3A_347 = arith.addf %add3A_338, %get3A_346 : vector<16xf32>
        %mul3A_348 = arith.constant 16 : i32
        %mul3A_349 = arith.muli %scan3A_161, %mul3A_348 : i32
        %get3A_350 = arith.constant 5 : i32
        %get3A_351 = arith.constant 2 : i32
        %get3A_352 = arith.index_cast %get3A_350 : i32 to index
        %get3A_353 = arith.index_cast %get3A_351 : i32 to index
        %get3A_354 = arith.index_cast %mul3A_349 : i32 to index
        %get3A_355 = tpu.vector_load %arg14[%get3A_352, %get3A_353, %get3A_354] {strides = array<i32>} : memref<8x3x448xf32, #tpu.memory_space<vmem>>, vector<16xf32>,
        %add3A_356 = arith.addf %add3A_347, %get3A_355 : vector<16xf32>
        %mul3A_357 = arith.constant 16 : i32
        %mul3A_358 = arith.muli %scan3A_161, %mul3A_357 : i32
        %get3A_359 = arith.constant 6 : i32
        %get3A_360 = arith.constant 2 : i32
        %get3A_361 = arith.index_cast %get3A_359 : i32 to index
        %get3A_362 = arith.index_cast %get3A_360 : i32 to index
        %get3A_363 = arith.index_cast %mul3A_358 : i32 to index
        %get3A_364 = tpu.vector_load %arg14[%get3A_361, %get3A_362, %get3A_363] {strides = array<i32>} : memref<8x3x448xf32, #tpu.memory_space<vmem>>, vector<16xf32>,
        %add3A_365 = arith.addf %add3A_356, %get3A_364 : vector<16xf32>
        %mul3A_366 = arith.constant 16 : i32
        %mul3A_367 = arith.muli %scan3A_161, %mul3A_366 : i32
        %get3A_368 = arith.constant 7 : i32
        %get3A_369 = arith.constant 2 : i32
        %get3A_370 = arith.index_cast %get3A_368 : i32 to index
        %get3A_371 = arith.index_cast %get3A_369 : i32 to index
        %get3A_372 = arith.index_cast %mul3A_367 : i32 to index
        %get3A_373 = tpu.vector_load %arg14[%get3A_370, %get3A_371, %get3A_372] {strides = array<i32>} : memref<8x3x448xf32, #tpu.memory_space<vmem>>, vector<16xf32>,
        %add3A_374 = arith.addf %add3A_365, %get3A_373 : vector<16xf32>
        %mul3A_375 = arith.mulf %add3A_232, %get3A_35 : vector<16xf32>
        %mul3A_376 = arith.mulf %add3A_303, %get3A_55 : vector<16xf32>
        %add3A_377 = arith.addf %mul3A_375, %mul3A_376 : vector<16xf32>
        %mul3A_378 = arith.mulf %add3A_374, %get3A_75 : vector<16xf32>
        %add3A_379 = arith.addf %add3A_377, %mul3A_378 : vector<16xf32>
        %mul3A_380 = arith.constant 16 : i32
        %mul3A_381 = arith.muli %scan3A_161, %mul3A_380 : i32
        %swap3A = arith.constant 0 : i32
        %swap3A_382 = arith.index_cast %swap3A : i32 to index
        %swap3A_383 = arith.index_cast %mul3A_381 : i32 to index
        %swap3A_384 = tpu.vector_load %arg15[%swap3A_382, %swap3A_383] {strides = array<i32>} : memref<5x448xf32, #tpu.memory_space<vmem>>, vector<16xf32>,
        tpu.vector_store %arg15[%swap3A_382, %swap3A_383], %add3A_379 {strides = array<i32>} : memref<5x448xf32, #tpu.memory_space<vmem>>, vector<16xf32>,
        %mul3A_385 = arith.mulf %add3A_232, %get3A_39 : vector<16xf32>
        %mul3A_386 = arith.mulf %add3A_303, %get3A_59 : vector<16xf32>
        %add3A_387 = arith.addf %mul3A_385, %mul3A_386 : vector<16xf32>
        %mul3A_388 = arith.mulf %add3A_374, %get3A_79 : vector<16xf32>
        %add3A_389 = arith.addf %add3A_387, %mul3A_388 : vector<16xf32>
        %mul3A_390 = arith.constant 16 : i32
        %mul3A_391 = arith.muli %scan3A_161, %mul3A_390 : i32
        %swap3A_392 = arith.constant 1 : i32
        %swap3A_393 = arith.index_cast %swap3A_392 : i32 to index
        %swap3A_394 = arith.index_cast %mul3A_391 : i32 to index
        %swap3A_395 = tpu.vector_load %arg15[%swap3A_393, %swap3A_394] {strides = array<i32>} : memref<5x448xf32, #tpu.memory_space<vmem>>, vector<16xf32>,
        tpu.vector_store %arg15[%swap3A_393, %swap3A_394], %add3A_389 {strides = array<i32>} : memref<5x448xf32, #tpu.memory_space<vmem>>, vector<16xf32>,
        %mul3A_396 = arith.mulf %add3A_232, %get3A_43 : vector<16xf32>
        %mul3A_397 = arith.mulf %add3A_303, %get3A_63 : vector<16xf32>
        %add3A_398 = arith.addf %mul3A_396, %mul3A_397 : vector<16xf32>
        %mul3A_399 = arith.mulf %add3A_374, %get3A_83 : vector<16xf32>
        %add3A_400 = arith.addf %add3A_398, %mul3A_399 : vector<16xf32>
        %mul3A_401 = arith.constant 16 : i32
        %mul3A_402 = arith.muli %scan3A_161, %mul3A_401 : i32
        %swap3A_403 = arith.constant 2 : i32
        %swap3A_404 = arith.index_cast %swap3A_403 : i32 to index
        %swap3A_405 = arith.index_cast %mul3A_402 : i32 to index
        %swap3A_406 = tpu.vector_load %arg15[%swap3A_404, %swap3A_405] {strides = array<i32>} : memref<5x448xf32, #tpu.memory_space<vmem>>, vector<16xf32>,
        tpu.vector_store %arg15[%swap3A_404, %swap3A_405], %add3A_400 {strides = array<i32>} : memref<5x448xf32, #tpu.memory_space<vmem>>, vector<16xf32>,
        %mul3A_407 = arith.mulf %add3A_232, %get3A_47 : vector<16xf32>
        %mul3A_408 = arith.mulf %add3A_303, %get3A_67 : vector<16xf32>
        %add3A_409 = arith.addf %mul3A_407, %mul3A_408 : vector<16xf32>
        %mul3A_410 = arith.mulf %add3A_374, %get3A_87 : vector<16xf32>
        %add3A_411 = arith.addf %add3A_409, %mul3A_410 : vector<16xf32>
        %mul3A_412 = arith.constant 16 : i32
        %mul3A_413 = arith.muli %scan3A_161, %mul3A_412 : i32
        %swap3A_414 = arith.constant 3 : i32
        %swap3A_415 = arith.index_cast %swap3A_414 : i32 to index
        %swap3A_416 = arith.index_cast %mul3A_413 : i32 to index
        %swap3A_417 = tpu.vector_load %arg15[%swap3A_415, %swap3A_416] {strides = array<i32>} : memref<5x448xf32, #tpu.memory_space<vmem>>, vector<16xf32>,
        tpu.vector_store %arg15[%swap3A_415, %swap3A_416], %add3A_411 {strides = array<i32>} : memref<5x448xf32, #tpu.memory_space<vmem>>, vector<16xf32>,
        %mul3A_418 = arith.mulf %add3A_232, %get3A_51 : vector<16xf32>
        %mul3A_419 = arith.mulf %add3A_303, %get3A_71 : vector<16xf32>
        %add3A_420 = arith.addf %mul3A_418, %mul3A_419 : vector<16xf32>
        %mul3A_421 = arith.mulf %add3A_374, %get3A_91 : vector<16xf32>
        %add3A_422 = arith.addf %add3A_420, %mul3A_421 : vector<16xf32>
        %mul3A_423 = arith.constant 16 : i32
        %mul3A_424 = arith.muli %scan3A_161, %mul3A_423 : i32
        %swap3A_425 = arith.constant 4 : i32
        %swap3A_426 = arith.index_cast %swap3A_425 : i32 to index
        %swap3A_427 = arith.index_cast %mul3A_424 : i32 to index
        %swap3A_428 = tpu.vector_load %arg15[%swap3A_426, %swap3A_427] {strides = array<i32>} : memref<5x448xf32, #tpu.memory_space<vmem>>, vector<16xf32>,
        tpu.vector_store %arg15[%swap3A_426, %swap3A_427], %add3A_422 {strides = array<i32>} : memref<5x448xf32, #tpu.memory_space<vmem>>, vector<16xf32>,
      }
      %scan3A_154 = arith.constant 28 : i32
      %mul3A_155 = arith.constant 50176 : i32
      %mul3A_156 = arith.muli %add3A_118, %mul3A_155 : i32
      %mul3A_157 = arith.constant 3584 : i32
      %mul3A_158 = arith.muli %scan3A_148, %mul3A_157 : i32
      %add3A_159 = arith.addi %mul3A_156, %mul3A_158 : i32
      %add3A_160 = arith.addi %add3A_159, %mul3A_136 : i32
      "tpu.region"() ({
        %run_scoped3A = tpu.sem_alloc : memref<!tpu.dma_semaphore, #tpu.memory_space<semaphore_mem>>
        %dma_start3A = arith.constant 0 : i32
        %dma_start3A_161 = tpu.memref_slice %arg7[%dma_start3A, %add3A_160] : memref<5x200704xf32, #tpu.memory_space<hbm>> -> memref<5x448xf32, #tpu.memory_space<hbm>>
        %dma_start3A_162 = arith.constant 0 : i32
        %dma_start3A_163 = tpu.memref_slice %arg7[%dma_start3A_162, %add3A_160] : memref<5x200704xf32, #tpu.memory_space<hbm>> -> memref<5x448xf32, #tpu.memory_space<hbm>>
        tpu.enqueue_dma source(%arg15 : memref<5x448xf32, #tpu.memory_space<vmem>>) target(%dma_start3A_163 : memref<5x448xf32, #tpu.memory_space<hbm>>) target_semaphore(%run_scoped3A : memref<!tpu.dma_semaphore, #tpu.memory_space<semaphore_mem>>)
        %dma_wait3A = arith.constant 0 : i32
        %dma_wait3A_164 = tpu.memref_slice %arg7[%dma_wait3A, %add3A_160] : memref<5x200704xf32, #tpu.memory_space<hbm>> -> memref<5x448xf32, #tpu.memory_space<hbm>>
        %dma_wait3A_165 = arith.constant 0 : i32
        %dma_wait3A_166 = tpu.memref_slice %arg7[%dma_wait3A_165, %add3A_160] : memref<5x200704xf32, #tpu.memory_space<hbm>> -> memref<5x448xf32, #tpu.memory_space<hbm>>
        tpu.wait_dma2 semaphore(%run_scoped3A : memref<!tpu.dma_semaphore, #tpu.memory_space<semaphore_mem>>) src(%arg15 : memref<5x448xf32, #tpu.memory_space<vmem>>) dst(%dma_wait3A_166 : memref<5x448xf32, #tpu.memory_space<hbm>>)
        tpu.yield
      }) : () -> ()
    }
    %scan3A_147 = arith.constant 14 : i32
    return
  }
}

module attributes {stable_mosaic.version = 14 : i64} {
  func.func @_pre_body(%arg0: memref<3000x128xf32, #tpu.memory_space<vmem>>, %arg1: memref<2000x128xf32, #tpu.memory_space<vmem>>, %arg2: memref<5x128x32xf32, #tpu.memory_space<vmem>>, %arg3: memref<5x3000x32xf32, #tpu.memory_space<vmem>>, %arg4: memref<5x2000x32xf32, #tpu.memory_space<vmem>>) attributes {dimension_semantics = [], scalar_prefetch = 0 : i64, scratch_operands = 0 : i64, tpu.core_type = #tpu.core_type<tc>} {
    %get3A = arith.constant 0 : index
    %get3A_0 = arith.constant 0 : index
    %get3A_1 = vector.load %arg0[%get3A, %get3A_0] : memref<3000x128xf32, #tpu.memory_space<vmem>>, vector<3000x128xf32>
    %get3A_2 = arith.constant 0 : index
    %get3A_3 = arith.constant 0 : index
    %get3A_4 = vector.load %arg1[%get3A_2, %get3A_3] : memref<2000x128xf32, #tpu.memory_space<vmem>>, vector<2000x128xf32>
    %get3A_5 = arith.constant 0 : index
    %get3A_6 = arith.constant 0 : index
    %get3A_7 = arith.constant 0 : index
    %get3A_8 = vector.load %arg2[%get3A_5, %get3A_6, %get3A_7] : memref<5x128x32xf32, #tpu.memory_space<vmem>>, vector<1x128x32xf32>
    %get3A_9 = vector.shape_cast %get3A_8 : vector<1x128x32xf32> to vector<128x32xf32>
    %dot_general3A = arith.constant dense<0.000000e+00> : vector<3000x32xf32>
    %dot_general3A_10 = tpu.matmul %get3A_1, %get3A_9, %dot_general3A {dimension_numbers = #tpu.dot_dimension_numbers<[1], [0], [0], [1], [0, 0, 1, 1], [], []>, transpose_lhs_hint = false} : vector<3000x128xf32>, vector<128x32xf32>, vector<3000x32xf32> -> vector<3000x32xf32>
    %swap3A = arith.constant 0 : index
    %swap3A_11 = arith.constant 0 : index
    %swap3A_12 = arith.constant 0 : index
    %swap3A_13 = vector.load %arg3[%swap3A, %swap3A_11, %swap3A_12] : memref<5x3000x32xf32, #tpu.memory_space<vmem>>, vector<1x3000x32xf32>
    %swap3A_14 = vector.shape_cast %swap3A_13 : vector<1x3000x32xf32> to vector<3000x32xf32>
    %swap3A_15 = vector.shape_cast %dot_general3A_10 : vector<3000x32xf32> to vector<1x3000x32xf32>
    tpu.vector_store %arg3[%swap3A, %swap3A_11, %swap3A_12], %swap3A_15 {strides = array<i32>} : memref<5x3000x32xf32, #tpu.memory_space<vmem>>, vector<1x3000x32xf32>,
    %dot_general3A_16 = arith.constant dense<0.000000e+00> : vector<2000x32xf32>
    %dot_general3A_17 = tpu.matmul %get3A_4, %get3A_9, %dot_general3A_16 {dimension_numbers = #tpu.dot_dimension_numbers<[1], [0], [0], [1], [0, 0, 1, 1], [], []>, transpose_lhs_hint = false} : vector<2000x128xf32>, vector<128x32xf32>, vector<2000x32xf32> -> vector<2000x32xf32>
    %swap3A_18 = arith.constant 0 : index
    %swap3A_19 = arith.constant 0 : index
    %swap3A_20 = arith.constant 0 : index
    %swap3A_21 = vector.load %arg4[%swap3A_18, %swap3A_19, %swap3A_20] : memref<5x2000x32xf32, #tpu.memory_space<vmem>>, vector<1x2000x32xf32>
    %swap3A_22 = vector.shape_cast %swap3A_21 : vector<1x2000x32xf32> to vector<2000x32xf32>
    %swap3A_23 = vector.shape_cast %dot_general3A_17 : vector<2000x32xf32> to vector<1x2000x32xf32>
    tpu.vector_store %arg4[%swap3A_18, %swap3A_19, %swap3A_20], %swap3A_23 {strides = array<i32>} : memref<5x2000x32xf32, #tpu.memory_space<vmem>>, vector<1x2000x32xf32>,
    %get3A_24 = arith.constant 1 : index
    %get3A_25 = arith.constant 0 : index
    %get3A_26 = arith.constant 0 : index
    %get3A_27 = vector.load %arg2[%get3A_24, %get3A_25, %get3A_26] : memref<5x128x32xf32, #tpu.memory_space<vmem>>, vector<1x128x32xf32>
    %get3A_28 = vector.shape_cast %get3A_27 : vector<1x128x32xf32> to vector<128x32xf32>
    %dot_general3A_29 = arith.constant dense<0.000000e+00> : vector<3000x32xf32>
    %dot_general3A_30 = tpu.matmul %get3A_1, %get3A_28, %dot_general3A_29 {dimension_numbers = #tpu.dot_dimension_numbers<[1], [0], [0], [1], [0, 0, 1, 1], [], []>, transpose_lhs_hint = false} : vector<3000x128xf32>, vector<128x32xf32>, vector<3000x32xf32> -> vector<3000x32xf32>
    %swap3A_31 = arith.constant 1 : index
    %swap3A_32 = arith.constant 0 : index
    %swap3A_33 = arith.constant 0 : index
    %swap3A_34 = vector.load %arg3[%swap3A_31, %swap3A_32, %swap3A_33] : memref<5x3000x32xf32, #tpu.memory_space<vmem>>, vector<1x3000x32xf32>
    %swap3A_35 = vector.shape_cast %swap3A_34 : vector<1x3000x32xf32> to vector<3000x32xf32>
    %swap3A_36 = vector.shape_cast %dot_general3A_30 : vector<3000x32xf32> to vector<1x3000x32xf32>
    tpu.vector_store %arg3[%swap3A_31, %swap3A_32, %swap3A_33], %swap3A_36 {strides = array<i32>} : memref<5x3000x32xf32, #tpu.memory_space<vmem>>, vector<1x3000x32xf32>,
    %dot_general3A_37 = arith.constant dense<0.000000e+00> : vector<2000x32xf32>
    %dot_general3A_38 = tpu.matmul %get3A_4, %get3A_28, %dot_general3A_37 {dimension_numbers = #tpu.dot_dimension_numbers<[1], [0], [0], [1], [0, 0, 1, 1], [], []>, transpose_lhs_hint = false} : vector<2000x128xf32>, vector<128x32xf32>, vector<2000x32xf32> -> vector<2000x32xf32>
    %swap3A_39 = arith.constant 1 : index
    %swap3A_40 = arith.constant 0 : index
    %swap3A_41 = arith.constant 0 : index
    %swap3A_42 = vector.load %arg4[%swap3A_39, %swap3A_40, %swap3A_41] : memref<5x2000x32xf32, #tpu.memory_space<vmem>>, vector<1x2000x32xf32>
    %swap3A_43 = vector.shape_cast %swap3A_42 : vector<1x2000x32xf32> to vector<2000x32xf32>
    %swap3A_44 = vector.shape_cast %dot_general3A_38 : vector<2000x32xf32> to vector<1x2000x32xf32>
    tpu.vector_store %arg4[%swap3A_39, %swap3A_40, %swap3A_41], %swap3A_44 {strides = array<i32>} : memref<5x2000x32xf32, #tpu.memory_space<vmem>>, vector<1x2000x32xf32>,
    %get3A_45 = arith.constant 2 : index
    %get3A_46 = arith.constant 0 : index
    %get3A_47 = arith.constant 0 : index
    %get3A_48 = vector.load %arg2[%get3A_45, %get3A_46, %get3A_47] : memref<5x128x32xf32, #tpu.memory_space<vmem>>, vector<1x128x32xf32>
    %get3A_49 = vector.shape_cast %get3A_48 : vector<1x128x32xf32> to vector<128x32xf32>
    %dot_general3A_50 = arith.constant dense<0.000000e+00> : vector<3000x32xf32>
    %dot_general3A_51 = tpu.matmul %get3A_1, %get3A_49, %dot_general3A_50 {dimension_numbers = #tpu.dot_dimension_numbers<[1], [0], [0], [1], [0, 0, 1, 1], [], []>, transpose_lhs_hint = false} : vector<3000x128xf32>, vector<128x32xf32>, vector<3000x32xf32> -> vector<3000x32xf32>
    %swap3A_52 = arith.constant 2 : index
    %swap3A_53 = arith.constant 0 : index
    %swap3A_54 = arith.constant 0 : index
    %swap3A_55 = vector.load %arg3[%swap3A_52, %swap3A_53, %swap3A_54] : memref<5x3000x32xf32, #tpu.memory_space<vmem>>, vector<1x3000x32xf32>
    %swap3A_56 = vector.shape_cast %swap3A_55 : vector<1x3000x32xf32> to vector<3000x32xf32>
    %swap3A_57 = vector.shape_cast %dot_general3A_51 : vector<3000x32xf32> to vector<1x3000x32xf32>
    tpu.vector_store %arg3[%swap3A_52, %swap3A_53, %swap3A_54], %swap3A_57 {strides = array<i32>} : memref<5x3000x32xf32, #tpu.memory_space<vmem>>, vector<1x3000x32xf32>,
    %dot_general3A_58 = arith.constant dense<0.000000e+00> : vector<2000x32xf32>
    %dot_general3A_59 = tpu.matmul %get3A_4, %get3A_49, %dot_general3A_58 {dimension_numbers = #tpu.dot_dimension_numbers<[1], [0], [0], [1], [0, 0, 1, 1], [], []>, transpose_lhs_hint = false} : vector<2000x128xf32>, vector<128x32xf32>, vector<2000x32xf32> -> vector<2000x32xf32>
    %swap3A_60 = arith.constant 2 : index
    %swap3A_61 = arith.constant 0 : index
    %swap3A_62 = arith.constant 0 : index
    %swap3A_63 = vector.load %arg4[%swap3A_60, %swap3A_61, %swap3A_62] : memref<5x2000x32xf32, #tpu.memory_space<vmem>>, vector<1x2000x32xf32>
    %swap3A_64 = vector.shape_cast %swap3A_63 : vector<1x2000x32xf32> to vector<2000x32xf32>
    %swap3A_65 = vector.shape_cast %dot_general3A_59 : vector<2000x32xf32> to vector<1x2000x32xf32>
    tpu.vector_store %arg4[%swap3A_60, %swap3A_61, %swap3A_62], %swap3A_65 {strides = array<i32>} : memref<5x2000x32xf32, #tpu.memory_space<vmem>>, vector<1x2000x32xf32>,
    %get3A_66 = arith.constant 3 : index
    %get3A_67 = arith.constant 0 : index
    %get3A_68 = arith.constant 0 : index
    %get3A_69 = vector.load %arg2[%get3A_66, %get3A_67, %get3A_68] : memref<5x128x32xf32, #tpu.memory_space<vmem>>, vector<1x128x32xf32>
    %get3A_70 = vector.shape_cast %get3A_69 : vector<1x128x32xf32> to vector<128x32xf32>
    %dot_general3A_71 = arith.constant dense<0.000000e+00> : vector<3000x32xf32>
    %dot_general3A_72 = tpu.matmul %get3A_1, %get3A_70, %dot_general3A_71 {dimension_numbers = #tpu.dot_dimension_numbers<[1], [0], [0], [1], [0, 0, 1, 1], [], []>, transpose_lhs_hint = false} : vector<3000x128xf32>, vector<128x32xf32>, vector<3000x32xf32> -> vector<3000x32xf32>
    %swap3A_73 = arith.constant 3 : index
    %swap3A_74 = arith.constant 0 : index
    %swap3A_75 = arith.constant 0 : index
    %swap3A_76 = vector.load %arg3[%swap3A_73, %swap3A_74, %swap3A_75] : memref<5x3000x32xf32, #tpu.memory_space<vmem>>, vector<1x3000x32xf32>
    %swap3A_77 = vector.shape_cast %swap3A_76 : vector<1x3000x32xf32> to vector<3000x32xf32>
    %swap3A_78 = vector.shape_cast %dot_general3A_72 : vector<3000x32xf32> to vector<1x3000x32xf32>
    tpu.vector_store %arg3[%swap3A_73, %swap3A_74, %swap3A_75], %swap3A_78 {strides = array<i32>} : memref<5x3000x32xf32, #tpu.memory_space<vmem>>, vector<1x3000x32xf32>,
    %dot_general3A_79 = arith.constant dense<0.000000e+00> : vector<2000x32xf32>
    %dot_general3A_80 = tpu.matmul %get3A_4, %get3A_70, %dot_general3A_79 {dimension_numbers = #tpu.dot_dimension_numbers<[1], [0], [0], [1], [0, 0, 1, 1], [], []>, transpose_lhs_hint = false} : vector<2000x128xf32>, vector<128x32xf32>, vector<2000x32xf32> -> vector<2000x32xf32>
    %swap3A_81 = arith.constant 3 : index
    %swap3A_82 = arith.constant 0 : index
    %swap3A_83 = arith.constant 0 : index
    %swap3A_84 = vector.load %arg4[%swap3A_81, %swap3A_82, %swap3A_83] : memref<5x2000x32xf32, #tpu.memory_space<vmem>>, vector<1x2000x32xf32>
    %swap3A_85 = vector.shape_cast %swap3A_84 : vector<1x2000x32xf32> to vector<2000x32xf32>
    %swap3A_86 = vector.shape_cast %dot_general3A_80 : vector<2000x32xf32> to vector<1x2000x32xf32>
    tpu.vector_store %arg4[%swap3A_81, %swap3A_82, %swap3A_83], %swap3A_86 {strides = array<i32>} : memref<5x2000x32xf32, #tpu.memory_space<vmem>>, vector<1x2000x32xf32>,
    %get3A_87 = arith.constant 4 : index
    %get3A_88 = arith.constant 0 : index
    %get3A_89 = arith.constant 0 : index
    %get3A_90 = vector.load %arg2[%get3A_87, %get3A_88, %get3A_89] : memref<5x128x32xf32, #tpu.memory_space<vmem>>, vector<1x128x32xf32>
    %get3A_91 = vector.shape_cast %get3A_90 : vector<1x128x32xf32> to vector<128x32xf32>
    %dot_general3A_92 = arith.constant dense<0.000000e+00> : vector<3000x32xf32>
    %dot_general3A_93 = tpu.matmul %get3A_1, %get3A_91, %dot_general3A_92 {dimension_numbers = #tpu.dot_dimension_numbers<[1], [0], [0], [1], [0, 0, 1, 1], [], []>, transpose_lhs_hint = false} : vector<3000x128xf32>, vector<128x32xf32>, vector<3000x32xf32> -> vector<3000x32xf32>
    %swap3A_94 = arith.constant 4 : index
    %swap3A_95 = arith.constant 0 : index
    %swap3A_96 = arith.constant 0 : index
    %swap3A_97 = vector.load %arg3[%swap3A_94, %swap3A_95, %swap3A_96] : memref<5x3000x32xf32, #tpu.memory_space<vmem>>, vector<1x3000x32xf32>
    %swap3A_98 = vector.shape_cast %swap3A_97 : vector<1x3000x32xf32> to vector<3000x32xf32>
    %swap3A_99 = vector.shape_cast %dot_general3A_93 : vector<3000x32xf32> to vector<1x3000x32xf32>
    tpu.vector_store %arg3[%swap3A_94, %swap3A_95, %swap3A_96], %swap3A_99 {strides = array<i32>} : memref<5x3000x32xf32, #tpu.memory_space<vmem>>, vector<1x3000x32xf32>,
    %dot_general3A_100 = arith.constant dense<0.000000e+00> : vector<2000x32xf32>
    %dot_general3A_101 = tpu.matmul %get3A_4, %get3A_91, %dot_general3A_100 {dimension_numbers = #tpu.dot_dimension_numbers<[1], [0], [0], [1], [0, 0, 1, 1], [], []>, transpose_lhs_hint = false} : vector<2000x128xf32>, vector<128x32xf32>, vector<2000x32xf32> -> vector<2000x32xf32>
    %swap3A_102 = arith.constant 4 : index
    %swap3A_103 = arith.constant 0 : index
    %swap3A_104 = arith.constant 0 : index
    %swap3A_105 = vector.load %arg4[%swap3A_102, %swap3A_103, %swap3A_104] : memref<5x2000x32xf32, #tpu.memory_space<vmem>>, vector<1x2000x32xf32>
    %swap3A_106 = vector.shape_cast %swap3A_105 : vector<1x2000x32xf32> to vector<2000x32xf32>
    %swap3A_107 = vector.shape_cast %dot_general3A_101 : vector<2000x32xf32> to vector<1x2000x32xf32>
    tpu.vector_store %arg4[%swap3A_102, %swap3A_103, %swap3A_104], %swap3A_107 {strides = array<i32>} : memref<5x2000x32xf32, #tpu.memory_space<vmem>>, vector<1x2000x32xf32>,
    return
  }
}

module attributes {stable_mosaic.version = 14 : i64} {
  func.func @_gcn_body(%arg0: i32, %arg1: i32, %arg2: memref<1x600x2000xf32, #tpu.memory_space<vmem>>, %arg3: memref<1x400x3000xf32, #tpu.memory_space<vmem>>, %arg4: memref<1x3000x32xf32, #tpu.memory_space<vmem>>, %arg5: memref<1x2000x32xf32, #tpu.memory_space<vmem>>, %arg6: memref<1x600x32xf32, #tpu.memory_space<vmem>>, %arg7: memref<1x400x32xf32, #tpu.memory_space<vmem>>) attributes {dimension_semantics = [#tpu.dimension_semantics<arbitrary>, #tpu.dimension_semantics<arbitrary>], iteration_bounds = array<i64: 5, 5>, scalar_prefetch = 0 : i64, scratch_operands = 0 : i64, tpu.core_type = #tpu.core_type<tc>, window_params = [{transform_indices = @transform_0, window_bounds = array<i64: 1, 600, 2000>}, {transform_indices = @transform_1, window_bounds = array<i64: 1, 400, 3000>}, {transform_indices = @transform_2, window_bounds = array<i64: 1, 3000, 32>}, {transform_indices = @transform_3, window_bounds = array<i64: 1, 2000, 32>}, {transform_indices = @transform_4, window_bounds = array<i64: 1, 600, 32>}, {transform_indices = @transform_5, window_bounds = array<i64: 1, 400, 32>}]} {
    %get3A = arith.constant 0 : index
    %get3A_0 = arith.constant 0 : index
    %get3A_1 = arith.constant 0 : index
    %get3A_2 = vector.load %arg2[%get3A, %get3A_0, %get3A_1] : memref<1x600x2000xf32, #tpu.memory_space<vmem>>, vector<1x600x2000xf32>
    %get3A_3 = vector.shape_cast %get3A_2 : vector<1x600x2000xf32> to vector<600x2000xf32>
    %get3A_4 = arith.constant 0 : index
    %get3A_5 = arith.constant 0 : index
    %get3A_6 = arith.constant 0 : index
    %get3A_7 = vector.load %arg5[%get3A_4, %get3A_5, %get3A_6] : memref<1x2000x32xf32, #tpu.memory_space<vmem>>, vector<1x2000x32xf32>
    %get3A_8 = vector.shape_cast %get3A_7 : vector<1x2000x32xf32> to vector<2000x32xf32>
    %dot_general3A = arith.constant dense<0.000000e+00> : vector<600x32xf32>
    %dot_general3A_9 = tpu.matmul %get3A_3, %get3A_8, %dot_general3A {dimension_numbers = #tpu.dot_dimension_numbers<[1], [0], [0], [1], [0, 0, 1, 1], [], []>, transpose_lhs_hint = false} : vector<600x2000xf32>, vector<2000x32xf32>, vector<600x32xf32> -> vector<600x32xf32>
    %max3A = arith.constant 0.000000e+00 : f32
    %max3A_10 = vector.broadcast %max3A : f32 to vector<600x32xf32>
    %max3A_11 = arith.maximumf %dot_general3A_9, %max3A_10 : vector<600x32xf32>
    %swap3A = arith.constant 0 : index
    %swap3A_12 = arith.constant 0 : index
    %swap3A_13 = arith.constant 0 : index
    %swap3A_14 = vector.load %arg6[%swap3A, %swap3A_12, %swap3A_13] : memref<1x600x32xf32, #tpu.memory_space<vmem>>, vector<1x600x32xf32>
    %swap3A_15 = vector.shape_cast %swap3A_14 : vector<1x600x32xf32> to vector<600x32xf32>
    %swap3A_16 = vector.shape_cast %max3A_11 : vector<600x32xf32> to vector<1x600x32xf32>
    tpu.vector_store %arg6[%swap3A, %swap3A_12, %swap3A_13], %swap3A_16 {strides = array<i32>} : memref<1x600x32xf32, #tpu.memory_space<vmem>>, vector<1x600x32xf32>,
    %get3A_17 = arith.constant 0 : index
    %get3A_18 = arith.constant 0 : index
    %get3A_19 = arith.constant 0 : index
    %get3A_20 = vector.load %arg3[%get3A_17, %get3A_18, %get3A_19] : memref<1x400x3000xf32, #tpu.memory_space<vmem>>, vector<1x400x3000xf32>
    %get3A_21 = vector.shape_cast %get3A_20 : vector<1x400x3000xf32> to vector<400x3000xf32>
    %get3A_22 = arith.constant 0 : index
    %get3A_23 = arith.constant 0 : index
    %get3A_24 = arith.constant 0 : index
    %get3A_25 = vector.load %arg4[%get3A_22, %get3A_23, %get3A_24] : memref<1x3000x32xf32, #tpu.memory_space<vmem>>, vector<1x3000x32xf32>
    %get3A_26 = vector.shape_cast %get3A_25 : vector<1x3000x32xf32> to vector<3000x32xf32>
    %dot_general3A_27 = arith.constant dense<0.000000e+00> : vector<400x32xf32>
    %dot_general3A_28 = tpu.matmul %get3A_21, %get3A_26, %dot_general3A_27 {dimension_numbers = #tpu.dot_dimension_numbers<[1], [0], [0], [1], [0, 0, 1, 1], [], []>, transpose_lhs_hint = false} : vector<400x3000xf32>, vector<3000x32xf32>, vector<400x32xf32> -> vector<400x32xf32>
    %max3A_29 = arith.constant 0.000000e+00 : f32
    %max3A_30 = vector.broadcast %max3A_29 : f32 to vector<400x32xf32>
    %max3A_31 = arith.maximumf %dot_general3A_28, %max3A_30 : vector<400x32xf32>
    %swap3A_32 = arith.constant 0 : index
    %swap3A_33 = arith.constant 0 : index
    %swap3A_34 = arith.constant 0 : index
    %swap3A_35 = vector.load %arg7[%swap3A_32, %swap3A_33, %swap3A_34] : memref<1x400x32xf32, #tpu.memory_space<vmem>>, vector<1x400x32xf32>
    %swap3A_36 = vector.shape_cast %swap3A_35 : vector<1x400x32xf32> to vector<400x32xf32>
    %swap3A_37 = vector.shape_cast %max3A_31 : vector<400x32xf32> to vector<1x400x32xf32>
    tpu.vector_store %arg7[%swap3A_32, %swap3A_33, %swap3A_34], %swap3A_37 {strides = array<i32>} : memref<1x400x32xf32, #tpu.memory_space<vmem>>, vector<1x400x32xf32>,
    return
  }
  func.func @transform_0(%arg0: i32, %arg1: i32) -> (i32, i32, i32) {
    %c0_i32 = arith.constant 0 : i32
    %c0_i32_0 = arith.constant 0 : i32
    return %arg0, %arg1, %c0_i32 : i32, i32, i32
  }
  func.func @transform_1(%arg0: i32, %arg1: i32) -> (i32, i32, i32) {
    %c0_i32 = arith.constant 0 : i32
    %c0_i32_0 = arith.constant 0 : i32
    return %arg0, %arg1, %c0_i32 : i32, i32, i32
  }
  func.func @transform_2(%arg0: i32, %arg1: i32) -> (i32, i32, i32) {
    %c0_i32 = arith.constant 0 : i32
    %c0_i32_0 = arith.constant 0 : i32
    %c0_i32_1 = arith.constant 0 : i32
    return %arg0, %c0_i32, %c0_i32_0 : i32, i32, i32
  }
  func.func @transform_3(%arg0: i32, %arg1: i32) -> (i32, i32, i32) {
    %c0_i32 = arith.constant 0 : i32
    %c0_i32_0 = arith.constant 0 : i32
    %c0_i32_1 = arith.constant 0 : i32
    return %arg0, %c0_i32, %c0_i32_0 : i32, i32, i32
  }
  func.func @transform_4(%arg0: i32, %arg1: i32) -> (i32, i32, i32) {
    %c0_i32 = arith.constant 0 : i32
    %c0_i32_0 = arith.constant 0 : i32
    return %arg0, %arg1, %c0_i32 : i32, i32, i32
  }
  func.func @transform_5(%arg0: i32, %arg1: i32) -> (i32, i32, i32) {
    %c0_i32 = arith.constant 0 : i32
    %c0_i32_0 = arith.constant 0 : i32
    return %arg0, %arg1, %c0_i32 : i32, i32, i32
  }
}

module attributes {stable_mosaic.version = 14 : i64} {
  func.func @_heads_body(%arg0: memref<5x3000x32xf32, #tpu.memory_space<vmem>>, %arg1: memref<5x2000x32xf32, #tpu.memory_space<vmem>>, %arg2: memref<3000x64xf32, #tpu.memory_space<vmem>>, %arg3: memref<2000x64xf32, #tpu.memory_space<vmem>>, %arg4: memref<64x64xf32, #tpu.memory_space<vmem>>, %arg5: memref<1x64xf32, #tpu.memory_space<vmem>>, %arg6: memref<64x64xf32, #tpu.memory_space<vmem>>, %arg7: memref<1x64xf32, #tpu.memory_space<vmem>>, %arg8: memref<224x128xf32, #tpu.memory_space<vmem>>, %arg9: memref<224x128xf32, #tpu.memory_space<vmem>>, %arg10: memref<3x128x128xf32, #tpu.memory_space<vmem>>, %arg11: memref<3000x128xf32, #tpu.memory_space<vmem>>, %arg12: memref<2000x384xf32, #tpu.memory_space<vmem>>) attributes {dimension_semantics = [], scalar_prefetch = 0 : i64, scratch_operands = 0 : i64, tpu.core_type = #tpu.core_type<tc>} {
    %get3A = arith.constant 0 : index
    %get3A_0 = arith.constant 0 : index
    %get3A_1 = vector.load %arg8[%get3A, %get3A_0] : memref<224x128xf32, #tpu.memory_space<vmem>>, vector<224x128xf32>
    %get3A_2 = arith.constant 0 : index
    %get3A_3 = arith.constant 0 : index
    %get3A_4 = vector.load %arg9[%get3A_2, %get3A_3] : memref<224x128xf32, #tpu.memory_space<vmem>>, vector<224x128xf32>
    %get3A_5 = arith.constant 0 : index
    %get3A_6 = arith.constant 0 : index
    %get3A_7 = vector.load %arg2[%get3A_5, %get3A_6] : memref<3000x64xf32, #tpu.memory_space<vmem>>, vector<3000x64xf32>
    %get3A_8 = arith.constant 0 : index
    %get3A_9 = arith.constant 0 : index
    %get3A_10 = vector.load %arg4[%get3A_8, %get3A_9] : memref<64x64xf32, #tpu.memory_space<vmem>>, vector<64x64xf32>
    %dot_general3A = arith.constant dense<0.000000e+00> : vector<3000x64xf32>
    %dot_general3A_11 = tpu.matmul %get3A_7, %get3A_10, %dot_general3A {dimension_numbers = #tpu.dot_dimension_numbers<[1], [0], [0], [1], [0, 0, 1, 1], [], []>, transpose_lhs_hint = false} : vector<3000x64xf32>, vector<64x64xf32>, vector<3000x64xf32> -> vector<3000x64xf32>
    %get3A_12 = arith.constant 0 : index
    %get3A_13 = arith.constant 0 : index
    %get3A_14 = vector.load %arg5[%get3A_12, %get3A_13] : memref<1x64xf32, #tpu.memory_space<vmem>>, vector<1x64xf32>
    %add3A = vector.broadcast %get3A_14 : vector<1x64xf32> to vector<3000x64xf32>
    %add3A_15 = arith.addf %dot_general3A_11, %add3A : vector<3000x64xf32>
    %max3A = arith.constant 0.000000e+00 : f32
    %max3A_16 = vector.broadcast %max3A : f32 to vector<3000x64xf32>
    %max3A_17 = arith.maximumf %add3A_15, %max3A_16 : vector<3000x64xf32>
    %get3A_18 = arith.constant 0 : index
    %get3A_19 = arith.constant 0 : index
    %get3A_20 = vector.load %arg3[%get3A_18, %get3A_19] : memref<2000x64xf32, #tpu.memory_space<vmem>>, vector<2000x64xf32>
    %get3A_21 = arith.constant 0 : index
    %get3A_22 = arith.constant 0 : index
    %get3A_23 = vector.load %arg6[%get3A_21, %get3A_22] : memref<64x64xf32, #tpu.memory_space<vmem>>, vector<64x64xf32>
    %dot_general3A_24 = arith.constant dense<0.000000e+00> : vector<2000x64xf32>
    %dot_general3A_25 = tpu.matmul %get3A_20, %get3A_23, %dot_general3A_24 {dimension_numbers = #tpu.dot_dimension_numbers<[1], [0], [0], [1], [0, 0, 1, 1], [], []>, transpose_lhs_hint = false} : vector<2000x64xf32>, vector<64x64xf32>, vector<2000x64xf32> -> vector<2000x64xf32>
    %get3A_26 = arith.constant 0 : index
    %get3A_27 = arith.constant 0 : index
    %get3A_28 = vector.load %arg7[%get3A_26, %get3A_27] : memref<1x64xf32, #tpu.memory_space<vmem>>, vector<1x64xf32>
    %add3A_29 = vector.broadcast %get3A_28 : vector<1x64xf32> to vector<2000x64xf32>
    %add3A_30 = arith.addf %dot_general3A_25, %add3A_29 : vector<2000x64xf32>
    %max3A_31 = arith.constant 0.000000e+00 : f32
    %max3A_32 = vector.broadcast %max3A_31 : f32 to vector<2000x64xf32>
    %max3A_33 = arith.maximumf %add3A_30, %max3A_32 : vector<2000x64xf32>
    %slice3A = vector.extract_strided_slice %get3A_1 {offsets = [160, 0], sizes = [64, 128], strides = [1, 1]} : vector<224x128xf32> to vector<64x128xf32>
    %dot_general3A_34 = arith.constant dense<0.000000e+00> : vector<3000x128xf32>
    %dot_general3A_35 = tpu.matmul %max3A_17, %slice3A, %dot_general3A_34 {dimension_numbers = #tpu.dot_dimension_numbers<[1], [0], [0], [1], [0, 0, 1, 1], [], []>, transpose_lhs_hint = false} : vector<3000x64xf32>, vector<64x128xf32>, vector<3000x128xf32> -> vector<3000x128xf32>
    %slice3A_36 = vector.extract_strided_slice %get3A_4 {offsets = [160, 0], sizes = [64, 128], strides = [1, 1]} : vector<224x128xf32> to vector<64x128xf32>
    %dot_general3A_37 = arith.constant dense<0.000000e+00> : vector<2000x128xf32>
    %dot_general3A_38 = tpu.matmul %max3A_33, %slice3A_36, %dot_general3A_37 {dimension_numbers = #tpu.dot_dimension_numbers<[1], [0], [0], [1], [0, 0, 1, 1], [], []>, transpose_lhs_hint = false} : vector<2000x64xf32>, vector<64x128xf32>, vector<2000x128xf32> -> vector<2000x128xf32>
    %get3A_39 = arith.constant 0 : index
    %get3A_40 = arith.constant 0 : index
    %get3A_41 = arith.constant 0 : index
    %get3A_42 = vector.load %arg0[%get3A_39, %get3A_40, %get3A_41] : memref<5x3000x32xf32, #tpu.memory_space<vmem>>, vector<1x3000x32xf32>
    %get3A_43 = vector.shape_cast %get3A_42 : vector<1x3000x32xf32> to vector<3000x32xf32>
    %slice3A_44 = vector.extract_strided_slice %get3A_1 {offsets = [0, 0], sizes = [32, 128], strides = [1, 1]} : vector<224x128xf32> to vector<32x128xf32>
    %dot_general3A_45 = arith.constant dense<0.000000e+00> : vector<3000x128xf32>
    %dot_general3A_46 = tpu.matmul %get3A_43, %slice3A_44, %dot_general3A_45 {dimension_numbers = #tpu.dot_dimension_numbers<[1], [0], [0], [1], [0, 0, 1, 1], [], []>, transpose_lhs_hint = false} : vector<3000x32xf32>, vector<32x128xf32>, vector<3000x128xf32> -> vector<3000x128xf32>
    %add3A_47 = arith.addf %dot_general3A_35, %dot_general3A_46 : vector<3000x128xf32>
    %get3A_48 = arith.constant 0 : index
    %get3A_49 = arith.constant 0 : index
    %get3A_50 = arith.constant 0 : index
    %get3A_51 = vector.load %arg1[%get3A_48, %get3A_49, %get3A_50] : memref<5x2000x32xf32, #tpu.memory_space<vmem>>, vector<1x2000x32xf32>
    %get3A_52 = vector.shape_cast %get3A_51 : vector<1x2000x32xf32> to vector<2000x32xf32>
    %slice3A_53 = vector.extract_strided_slice %get3A_4 {offsets = [0, 0], sizes = [32, 128], strides = [1, 1]} : vector<224x128xf32> to vector<32x128xf32>
    %dot_general3A_54 = arith.constant dense<0.000000e+00> : vector<2000x128xf32>
    %dot_general3A_55 = tpu.matmul %get3A_52, %slice3A_53, %dot_general3A_54 {dimension_numbers = #tpu.dot_dimension_numbers<[1], [0], [0], [1], [0, 0, 1, 1], [], []>, transpose_lhs_hint = false} : vector<2000x32xf32>, vector<32x128xf32>, vector<2000x128xf32> -> vector<2000x128xf32>
    %add3A_56 = arith.addf %dot_general3A_38, %dot_general3A_55 : vector<2000x128xf32>
    %get3A_57 = arith.constant 1 : index
    %get3A_58 = arith.constant 0 : index
    %get3A_59 = arith.constant 0 : index
    %get3A_60 = vector.load %arg0[%get3A_57, %get3A_58, %get3A_59] : memref<5x3000x32xf32, #tpu.memory_space<vmem>>, vector<1x3000x32xf32>
    %get3A_61 = vector.shape_cast %get3A_60 : vector<1x3000x32xf32> to vector<3000x32xf32>
    %slice3A_62 = vector.extract_strided_slice %get3A_1 {offsets = [32, 0], sizes = [32, 128], strides = [1, 1]} : vector<224x128xf32> to vector<32x128xf32>
    %dot_general3A_63 = arith.constant dense<0.000000e+00> : vector<3000x128xf32>
    %dot_general3A_64 = tpu.matmul %get3A_61, %slice3A_62, %dot_general3A_63 {dimension_numbers = #tpu.dot_dimension_numbers<[1], [0], [0], [1], [0, 0, 1, 1], [], []>, transpose_lhs_hint = false} : vector<3000x32xf32>, vector<32x128xf32>, vector<3000x128xf32> -> vector<3000x128xf32>
    %add3A_65 = arith.addf %add3A_47, %dot_general3A_64 : vector<3000x128xf32>
    %get3A_66 = arith.constant 1 : index
    %get3A_67 = arith.constant 0 : index
    %get3A_68 = arith.constant 0 : index
    %get3A_69 = vector.load %arg1[%get3A_66, %get3A_67, %get3A_68] : memref<5x2000x32xf32, #tpu.memory_space<vmem>>, vector<1x2000x32xf32>
    %get3A_70 = vector.shape_cast %get3A_69 : vector<1x2000x32xf32> to vector<2000x32xf32>
    %slice3A_71 = vector.extract_strided_slice %get3A_4 {offsets = [32, 0], sizes = [32, 128], strides = [1, 1]} : vector<224x128xf32> to vector<32x128xf32>
    %dot_general3A_72 = arith.constant dense<0.000000e+00> : vector<2000x128xf32>
    %dot_general3A_73 = tpu.matmul %get3A_70, %slice3A_71, %dot_general3A_72 {dimension_numbers = #tpu.dot_dimension_numbers<[1], [0], [0], [1], [0, 0, 1, 1], [], []>, transpose_lhs_hint = false} : vector<2000x32xf32>, vector<32x128xf32>, vector<2000x128xf32> -> vector<2000x128xf32>
    %add3A_74 = arith.addf %add3A_56, %dot_general3A_73 : vector<2000x128xf32>
    %get3A_75 = arith.constant 2 : index
    %get3A_76 = arith.constant 0 : index
    %get3A_77 = arith.constant 0 : index
    %get3A_78 = vector.load %arg0[%get3A_75, %get3A_76, %get3A_77] : memref<5x3000x32xf32, #tpu.memory_space<vmem>>, vector<1x3000x32xf32>
    %get3A_79 = vector.shape_cast %get3A_78 : vector<1x3000x32xf32> to vector<3000x32xf32>
    %slice3A_80 = vector.extract_strided_slice %get3A_1 {offsets = [64, 0], sizes = [32, 128], strides = [1, 1]} : vector<224x128xf32> to vector<32x128xf32>
    %dot_general3A_81 = arith.constant dense<0.000000e+00> : vector<3000x128xf32>
    %dot_general3A_82 = tpu.matmul %get3A_79, %slice3A_80, %dot_general3A_81 {dimension_numbers = #tpu.dot_dimension_numbers<[1], [0], [0], [1], [0, 0, 1, 1], [], []>, transpose_lhs_hint = false} : vector<3000x32xf32>, vector<32x128xf32>, vector<3000x128xf32> -> vector<3000x128xf32>
    %add3A_83 = arith.addf %add3A_65, %dot_general3A_82 : vector<3000x128xf32>
    %get3A_84 = arith.constant 2 : index
    %get3A_85 = arith.constant 0 : index
    %get3A_86 = arith.constant 0 : index
    %get3A_87 = vector.load %arg1[%get3A_84, %get3A_85, %get3A_86] : memref<5x2000x32xf32, #tpu.memory_space<vmem>>, vector<1x2000x32xf32>
    %get3A_88 = vector.shape_cast %get3A_87 : vector<1x2000x32xf32> to vector<2000x32xf32>
    %slice3A_89 = vector.extract_strided_slice %get3A_4 {offsets = [64, 0], sizes = [32, 128], strides = [1, 1]} : vector<224x128xf32> to vector<32x128xf32>
    %dot_general3A_90 = arith.constant dense<0.000000e+00> : vector<2000x128xf32>
    %dot_general3A_91 = tpu.matmul %get3A_88, %slice3A_89, %dot_general3A_90 {dimension_numbers = #tpu.dot_dimension_numbers<[1], [0], [0], [1], [0, 0, 1, 1], [], []>, transpose_lhs_hint = false} : vector<2000x32xf32>, vector<32x128xf32>, vector<2000x128xf32> -> vector<2000x128xf32>
    %add3A_92 = arith.addf %add3A_74, %dot_general3A_91 : vector<2000x128xf32>
    %get3A_93 = arith.constant 3 : index
    %get3A_94 = arith.constant 0 : index
    %get3A_95 = arith.constant 0 : index
    %get3A_96 = vector.load %arg0[%get3A_93, %get3A_94, %get3A_95] : memref<5x3000x32xf32, #tpu.memory_space<vmem>>, vector<1x3000x32xf32>
    %get3A_97 = vector.shape_cast %get3A_96 : vector<1x3000x32xf32> to vector<3000x32xf32>
    %slice3A_98 = vector.extract_strided_slice %get3A_1 {offsets = [96, 0], sizes = [32, 128], strides = [1, 1]} : vector<224x128xf32> to vector<32x128xf32>
    %dot_general3A_99 = arith.constant dense<0.000000e+00> : vector<3000x128xf32>
    %dot_general3A_100 = tpu.matmul %get3A_97, %slice3A_98, %dot_general3A_99 {dimension_numbers = #tpu.dot_dimension_numbers<[1], [0], [0], [1], [0, 0, 1, 1], [], []>, transpose_lhs_hint = false} : vector<3000x32xf32>, vector<32x128xf32>, vector<3000x128xf32> -> vector<3000x128xf32>
    %add3A_101 = arith.addf %add3A_83, %dot_general3A_100 : vector<3000x128xf32>
    %get3A_102 = arith.constant 3 : index
    %get3A_103 = arith.constant 0 : index
    %get3A_104 = arith.constant 0 : index
    %get3A_105 = vector.load %arg1[%get3A_102, %get3A_103, %get3A_104] : memref<5x2000x32xf32, #tpu.memory_space<vmem>>, vector<1x2000x32xf32>
    %get3A_106 = vector.shape_cast %get3A_105 : vector<1x2000x32xf32> to vector<2000x32xf32>
    %slice3A_107 = vector.extract_strided_slice %get3A_4 {offsets = [96, 0], sizes = [32, 128], strides = [1, 1]} : vector<224x128xf32> to vector<32x128xf32>
    %dot_general3A_108 = arith.constant dense<0.000000e+00> : vector<2000x128xf32>
    %dot_general3A_109 = tpu.matmul %get3A_106, %slice3A_107, %dot_general3A_108 {dimension_numbers = #tpu.dot_dimension_numbers<[1], [0], [0], [1], [0, 0, 1, 1], [], []>, transpose_lhs_hint = false} : vector<2000x32xf32>, vector<32x128xf32>, vector<2000x128xf32> -> vector<2000x128xf32>
    %add3A_110 = arith.addf %add3A_92, %dot_general3A_109 : vector<2000x128xf32>
    %get3A_111 = arith.constant 4 : index
    %get3A_112 = arith.constant 0 : index
    %get3A_113 = arith.constant 0 : index
    %get3A_114 = vector.load %arg0[%get3A_111, %get3A_112, %get3A_113] : memref<5x3000x32xf32, #tpu.memory_space<vmem>>, vector<1x3000x32xf32>
    %get3A_115 = vector.shape_cast %get3A_114 : vector<1x3000x32xf32> to vector<3000x32xf32>
    %slice3A_116 = vector.extract_strided_slice %get3A_1 {offsets = [128, 0], sizes = [32, 128], strides = [1, 1]} : vector<224x128xf32> to vector<32x128xf32>
    %dot_general3A_117 = arith.constant dense<0.000000e+00> : vector<3000x128xf32>
    %dot_general3A_118 = tpu.matmul %get3A_115, %slice3A_116, %dot_general3A_117 {dimension_numbers = #tpu.dot_dimension_numbers<[1], [0], [0], [1], [0, 0, 1, 1], [], []>, transpose_lhs_hint = false} : vector<3000x32xf32>, vector<32x128xf32>, vector<3000x128xf32> -> vector<3000x128xf32>
    %add3A_119 = arith.addf %add3A_101, %dot_general3A_118 : vector<3000x128xf32>
    %get3A_120 = arith.constant 4 : index
    %get3A_121 = arith.constant 0 : index
    %get3A_122 = arith.constant 0 : index
    %get3A_123 = vector.load %arg1[%get3A_120, %get3A_121, %get3A_122] : memref<5x2000x32xf32, #tpu.memory_space<vmem>>, vector<1x2000x32xf32>
    %get3A_124 = vector.shape_cast %get3A_123 : vector<1x2000x32xf32> to vector<2000x32xf32>
    %slice3A_125 = vector.extract_strided_slice %get3A_4 {offsets = [128, 0], sizes = [32, 128], strides = [1, 1]} : vector<224x128xf32> to vector<32x128xf32>
    %dot_general3A_126 = arith.constant dense<0.000000e+00> : vector<2000x128xf32>
    %dot_general3A_127 = tpu.matmul %get3A_124, %slice3A_125, %dot_general3A_126 {dimension_numbers = #tpu.dot_dimension_numbers<[1], [0], [0], [1], [0, 0, 1, 1], [], []>, transpose_lhs_hint = false} : vector<2000x32xf32>, vector<32x128xf32>, vector<2000x128xf32> -> vector<2000x128xf32>
    %add3A_128 = arith.addf %add3A_110, %dot_general3A_127 : vector<2000x128xf32>
    %swap3A = arith.constant 0 : index
    %swap3A_129 = arith.constant 0 : index
    %swap3A_130 = vector.load %arg11[%swap3A, %swap3A_129] : memref<3000x128xf32, #tpu.memory_space<vmem>>, vector<3000x128xf32>
    tpu.vector_store %arg11[%swap3A, %swap3A_129], %add3A_119 {strides = array<i32>} : memref<3000x128xf32, #tpu.memory_space<vmem>>, vector<3000x128xf32>,
    %get3A_131 = arith.constant 0 : index
    %get3A_132 = arith.constant 0 : index
    %get3A_133 = arith.constant 0 : index
    %get3A_134 = vector.load %arg10[%get3A_131, %get3A_132, %get3A_133] : memref<3x128x128xf32, #tpu.memory_space<vmem>>, vector<1x128x128xf32>
    %get3A_135 = vector.shape_cast %get3A_134 : vector<1x128x128xf32> to vector<128x128xf32>
    %dot_general3A_136 = arith.constant dense<0.000000e+00> : vector<2000x128xf32>
    %dot_general3A_137 = tpu.matmul %add3A_128, %get3A_135, %dot_general3A_136 {dimension_numbers = #tpu.dot_dimension_numbers<[1], [1], [0], [0], [0, 0, 1, 0], [], []>, transpose_lhs_hint = false} : vector<2000x128xf32>, vector<128x128xf32>, vector<2000x128xf32> -> vector<2000x128xf32>
    %get3A_138 = arith.constant 1 : index
    %get3A_139 = arith.constant 0 : index
    %get3A_140 = arith.constant 0 : index
    %get3A_141 = vector.load %arg10[%get3A_138, %get3A_139, %get3A_140] : memref<3x128x128xf32, #tpu.memory_space<vmem>>, vector<1x128x128xf32>
    %get3A_142 = vector.shape_cast %get3A_141 : vector<1x128x128xf32> to vector<128x128xf32>
    %dot_general3A_143 = arith.constant dense<0.000000e+00> : vector<2000x128xf32>
    %dot_general3A_144 = tpu.matmul %add3A_128, %get3A_142, %dot_general3A_143 {dimension_numbers = #tpu.dot_dimension_numbers<[1], [1], [0], [0], [0, 0, 1, 0], [], []>, transpose_lhs_hint = false} : vector<2000x128xf32>, vector<128x128xf32>, vector<2000x128xf32> -> vector<2000x128xf32>
    %get3A_145 = arith.constant 2 : index
    %get3A_146 = arith.constant 0 : index
    %get3A_147 = arith.constant 0 : index
    %get3A_148 = vector.load %arg10[%get3A_145, %get3A_146, %get3A_147] : memref<3x128x128xf32, #tpu.memory_space<vmem>>, vector<1x128x128xf32>
    %get3A_149 = vector.shape_cast %get3A_148 : vector<1x128x128xf32> to vector<128x128xf32>
    %dot_general3A_150 = arith.constant dense<0.000000e+00> : vector<2000x128xf32>
    %dot_general3A_151 = tpu.matmul %add3A_128, %get3A_149, %dot_general3A_150 {dimension_numbers = #tpu.dot_dimension_numbers<[1], [1], [0], [0], [0, 0, 1, 0], [], []>, transpose_lhs_hint = false} : vector<2000x128xf32>, vector<128x128xf32>, vector<2000x128xf32> -> vector<2000x128xf32>
    %concatenate3A = tpu.concatenate %dot_general3A_137, %dot_general3A_144, %dot_general3A_151 in 1 : vector<2000x128xf32>, vector<2000x128xf32>, vector<2000x128xf32> -> vector<2000x384xf32>
    %swap3A_152 = arith.constant 0 : index
    %swap3A_153 = arith.constant 0 : index
    %swap3A_154 = vector.load %arg12[%swap3A_152, %swap3A_153] : memref<2000x384xf32, #tpu.memory_space<vmem>>, vector<2000x384xf32>
    tpu.vector_store %arg12[%swap3A_152, %swap3A_153], %concatenate3A {strides = array<i32>} : memref<2000x384xf32, #tpu.memory_space<vmem>>, vector<2000x384xf32>,
    return
  }
}

</mosaic_0001>

<sc_bundles>
// kernel: kernel.6.cloned.1.call-start
scs
__scs_entry_jumppad:
0x0: {  	(pc) =	sbr.rel $0x88, $3  }
0x1: {  	(tag) =	ssettag $0x0;
	lr =	simm.s32 $0x1  }
0x2: {  	[smem:$0x3F90] =	sst lr;
	_ =	strace $0xD0000000  }
0x3: {  	_ = 	snop  }
0x4: {  	_ = 	snop  }
0x5: {  	_ = 	snop  }
0x6: {  	_ = 	snop  }
0x7: {  	_ = 	snop  }
__scs_overlays_trampoline_lowered:
0x8: {  	[smem:$0x3F9F] =	sst s0  }
0x9: {  	[smem:$0x3FA0] =	sst s1  }
0xa: {  	[smem:$0x3FA1] =	sst s2  }
0xb: {  	[smem:$0x3FA2] =	sst s3  }
0xc: {  	[smem:$0x3FA3] =	sst s4  }
0xd: {  	[smem:$0x3FA4] =	sst s5  }
0xe: {  	[smem:$0x3FA5] =	sst s6  }
0xf: {  	[smem:$0x3FA6] =	sst s7  }
0x10: {  	[smem:$0x3FA7] =	sst s8  }
0x11: {  	[smem:$0x3FA8] =	sst s9;
	s0 =	simm.s32 @!p0 $0x0  }
0x12: {  	s1 =	sld [smem:$0x3F8E];
	s0 =	simm.s32 @p0 $0x1  }
0x13: {  	[smem:$0x3FA9] =	sst s0;
	s0 =	simm.s32 @!p1 $0x0  }
0x14: {  	s2 =	sld [smem:$0x3F8D];
	s0 =	simm.s32 @p1 $0x1  }
0x15: {  	[smem:$0x3FAA] =	sst s0;
	s0 =	simm.s32 @!p2 $0x0  }
0x16: {  	s3 =	sld [smem:$0x3FDB];
	s0 =	simm.s32 @p2 $0x1  }
0x17: {  	s4 =	simm.s32 $0x1BF5;
	[smem:$0x3FAC] =	sst s0  }
0x18: {  	s0 =	sld [smem:$0x3F8F];
	_ =	swait.ge [sflag:s4], $0x0  }
0x19: {  	s7 =	sld [smem:$0x3F90]  }
0x1a: {  	s8 =	sadd.s32 $0xFFFFE003, lr  }
0x1b: {  	s9 =	sadd.s32 $0xFFFFFEF7, lr;
	s5 =	simm.s32 $0xFFFFFFFF;
	p2 =	slt.u32 s8, $0xFFFFF086  }
0x1c: {  	p1 =	slt.u32 s9, $0xF7A;
	s5 =	simm.s32 @!p2 $0x0  }
0x1d: {  	s5 =	simm.s32 @p1 $0x1;
	p0 =	seq.s32 s7, s2  }
0x1e: {  	s7 =	smul.u32 @!p0 $0xF7A, s2;
	p2 =	seq.s32 @!p0 s5, $0x0  }
0x1f: {  	s9 =	smul.u32 $0xF7A, s1;
	s8 =	simm.s32 @!p0 $0x1BF5;
	p2 =	por !p2, p0  }
0x20: {  	[sflag:s8] =	ssyncset.s32 @!p0 $0xFFFFF086;
	s6 =	sadd.s32 @!p0 s3, s7;
	s7 =	simm.s32 @!p0 $0x108  }
0x21: {  	s3 =	sadd.s32 s3, s9;
	s6 =	sadd.s32 @!p0 $0x88, s6;
	s7 =	simm.s32 @p2 $0x1082  }
0x22: {  	[simem:s7], [sflag:s8] =	dma.local @!p0 [hbm:s6], $0xF7A  }
0x23: {  	s9 =	sor.u32 $0xD0000000, s2;
	s6 =	simm.s32 $0x108;
	_ =	swait.ge @!p0 [sflag:s8], $0x0  }
0x24: {  	s3 =	sadd.s32 $0x88, s3;
	s6 =	simm.s32 @!p1 $0x1082;
	[sflag:s4] =	ssyncset.s32 $0xFFFFF086  }
0x25: {  	[simem:s6], [sflag:s4] =	dma.local [hbm:s3], $0xF7A  }
0x26: {  	[smem:$0x3F90] =	sst s1;
	(tag) =	ssettag s2;
	_ =	strace s9  }
0x27: {  	s1 =	sld [smem:$0x3FA0]  }
0x28: {  	s2 =	sld [smem:$0x3FA1]  }
0x29: {  	s4 =	sld [smem:$0x3FA3]  }
0x2a: {  	p0 =	seq.s32 s5, $0x0;
	s5 =	sld [smem:$0x3FA4]  }
0x2b: {  	s6 =	sld [smem:$0x3FA5]  }
0x2c: {  	s7 =	sld [smem:$0x3FA6]  }
0x2d: {  	s3 =	simm.s32 $0x108;
	s8 =	sld [smem:$0x3FA7]  }
0x2e: {  	s3 =	simm.s32 @!p0 $0x1082;
	s9 =	sld [smem:$0x3FA8]  }
0x2f: {  	lr =	sadd.s32 s0, s3;
	s0 =	sld [smem:$0x3F9F]  }
0x30: {  	s3 =	sld [smem:$0x3FA2]  }
0x31: {  	[smem:$0x3FAB] =	sst s10  }
0x32: {  	s10 =	sld [smem:$0x3FA9];
	_ =	sdelay $0x3  }
0x33: {  	p0 =	seq.s32 s10, $0x1;
	s10 =	sld [smem:$0x3FAB];
	_ =	sdelay $0x3  }
0x34: {  	[smem:$0x3FAB] =	sst s10  }
0x35: {  	s10 =	sld [smem:$0x3FAA];
	_ =	sdelay $0x3  }
0x36: {  	p1 =	seq.s32 s10, $0x1;
	s10 =	sld [smem:$0x3FAB];
	_ =	sdelay $0x3  }
0x37: {  	[smem:$0x3FAB] =	sst s10  }
0x38: {  	s10 =	sld [smem:$0x3FAC]  }
0x39: {  	_ = 	snop;
	(pc) =	sbr.ind lr, $3  }
0x3a: {  	_ = 	snop  }
0x3b: {  	_ = 	snop  }
0x3c: {  	p2 =	seq.s32 s10, $0x1;
	s10 =	sld [smem:$0x3FAB]  }
0x3d: {  	_ =	shalt  }
0x3e: {  	_ =	shalt  }
0x3f: {  	_ =	shalt  }
0x40: {  	_ =	shalt  }
0x41: {  	_ =	shalt  }
0x42: {  	_ =	shalt  }
0x43: {  	_ =	shalt  }
0x44: {  	_ =	shalt  }
0x45: {  	_ =	shalt  }
0x46: {  	_ =	shalt  }
0x47: {  	_ =	shalt  }
0x48: {  	_ =	shalt  }
0x49: {  	_ =	shalt  }
0x4a: {  	_ =	shalt  }
0x4b: {  	_ =	shalt  }
0x4c: {  	_ =	shalt  }
0x4d: {  	_ =	shalt  }
0x4e: {  	_ =	shalt  }
0x4f: {  	_ =	shalt  }
0x50: {  	_ =	shalt  }
0x51: {  	_ =	shalt  }
0x52: {  	_ =	shalt  }
0x53: {  	_ =	shalt  }
0x54: {  	_ =	shalt  }
0x55: {  	_ =	shalt  }
0x56: {  	_ =	shalt  }
0x57: {  	_ =	shalt  }
0x58: {  	_ =	shalt  }
0x59: {  	_ =	shalt  }
0x5a: {  	_ =	shalt  }
0x5b: {  	_ =	shalt  }
0x5c: {  	_ =	shalt  }
0x5d: {  	_ =	shalt  }
0x5e: {  	_ =	shalt  }
0x5f: {  	_ =	shalt  }
0x60: {  	_ =	shalt  }
0x61: {  	_ =	shalt  }
0x62: {  	_ =	shalt  }
0x63: {  	_ =	shalt  }
0x64: {  	_ =	shalt  }
0x65: {  	_ =	shalt  }
0x66: {  	_ =	shalt  }
0x67: {  	_ =	shalt  }
0x68: {  	_ =	shalt  }
0x69: {  	_ =	shalt  }
0x6a: {  	_ =	shalt  }
0x6b: {  	_ =	shalt  }
0x6c: {  	_ =	shalt  }
0x6d: {  	_ =	shalt  }
0x6e: {  	_ =	shalt  }
0x6f: {  	_ =	shalt  }
0x70: {  	_ =	shalt  }
0x71: {  	_ =	shalt  }
0x72: {  	_ =	shalt  }
0x73: {  	_ =	shalt  }
0x74: {  	_ =	shalt  }
0x75: {  	_ =	shalt  }
0x76: {  	_ =	shalt  }
0x77: {  	_ =	shalt  }
0x78: {  	_ =	shalt  }
0x79: {  	_ =	shalt  }
0x7a: {  	_ =	shalt  }
0x7b: {  	_ =	shalt  }
0x7c: {  	_ =	shalt  }
0x7d: {  	_ =	shalt  }
0x7e: {  	_ =	shalt  }
0x7f: {  	_ =	shalt  }
0x80: {  	_ =	shalt  }
0x81: {  	_ =	shalt  }
0x82: {  	_ =	shalt  }
0x83: {  	_ =	shalt  }
0x84: {  	_ =	shalt  }
0x85: {  	_ =	shalt  }
0x86: {  	_ =	shalt  }
0x87: {  	_ =	shalt  }
.Lfunc_end0:
.L_simem_size_0:
called_computation_lowered:
.L_overlay_start_0:
0x88: {  	s2 =	sld [smem:$0x3FD9]  }
0x89: {  	s3 =	sld [smem:$0x3FFE];
	_ =	sdelay $0x1  }
0x8a: {  	s1 =	srdreg.scid  }
0x8b: {  	s0 =	sand.u32 $0x1, s1  }
0x8c: {  	s17 =	sshll.u32 s0, $0xA;
	s2 =	sadd.s32 s3, s2  }
0x8d: {  	s2 =	sadd.s32 s2, s17  }
0x8e: {  	[smem:$0x3FB7] =	sst s2  }
0x8f: {  	_ = 	snop  }
0x90: {  	s2 =	sld [smem:$0x3FD0];
	(tm) =	ssettm $0x1  }
0x91: {  	s18 =	sld [smem:$0x3FFB];
	_ =	sdelay $0x3  }
0x92: {  	_ =	strace s18  }
0x93: {  	s3 =	sld [smem:$0x3FFC];
	_ =	sdelay $0x3  }
0x94: {  	_ =	strace s3  }
0x95: {  	s3 =	sld [smem:$0x3FFD];
	_ =	sdelay $0x3  }
0x96: {  	_ =	strace s3  }
0x97: {  	_ =	strace $0x8FFFFFFF  }
0x98: {  	s19 =	sld [smem:$0x3FDB];
	_ =	sdelay $0x1  }
0x99: {  	s4 =	simm.s32 $_scs_section_size  }
0x9a: {  	s5 =	simm.s32 $_size__tile_overlayer_lowered;
	s6 =	simm.s32 $_tile_overlayer_lowered  }
0x9b: {  	s22 =	simm.s32 $0x1BFF;
	s21 =	sshll.u32 s6, $0x1;
	s3 =	sadd.s32 s4, s19  }
0x9c: {  	s7 =	simm.s32 $0x0;
	s20 =	sshll.u32 s5, $0x1;
	s5 =	sadd.s32 s21, s3  }
0x9d: {  	[timem:s7], [sflag:s22] =	dma.local [hbm:s5], s20  }
0x9e: {  	_ =	swait.ge [sflag:s22], s20  }
0x9f: {  	s4 =	ssub.s32 $0x0, s20;
	[sflag:s22] =	ssyncset.done $0x0  }
0xa0: {  	[sflag:s22] =	ssyncadd.s32 s4;
	_ =	sdelay $0x1  }
0xa1: {  	s23 =	simm.s32 $0x1B8B  }
0xa2: {  	_ =	swait.ge [sflag:s23], $0x1  }
0xa3: {  	[sflag:s23] =	ssyncset.done $0x0  }
0xa4: {  	s25 =	simm.s32 $0x1B8E;
	s24 =	sld [smem:$0x3FFE];
	[sflag:s23] =	ssyncadd.s32 $0xFFFFFFFF  }
0xa5: {  	s26 =	simm.s32 $execute0_lowered;
	[smem:$0x3FD2] =	sst s25  }
0xa6: {  	s5 =	sshll.u32 s26, $0x1;
	_ =	strace $0x80000046;
	[dreg:$0x1] =	wrdreg $0xFFFFFFFF  }
0xa7: {  	s28 =	simm.s32 $_size_execute0_lowered;
	s3 =	sadd.s32 s3, s5;
	[dreg:$0x0] =	wrdreg $0x0  }
0xa8: {  	s5 =	sshll.u32 s28, $0x1;
	[dreg:$0x2] =	wrdreg s3  }
0xa9: {  	[dreg:$0x3] =	wrdreg s5  }
0xaa: {  	[dreg:$0x4] =	wrdreg $0xC0  }
0xab: {  	_ =	task [dreg:s7], $0x5FFFF  }
0xac: {  	[dreg:$0x1] =	wrdreg $0xFFFFFFFF  }
0xad: {  	[dreg:$0x0] =	wrdreg $0x60  }
0xae: {  	[dreg:$0x2] =	wrdreg s24  }
0xaf: {  	[dreg:$0x3] =	wrdreg s2  }
0xb0: {  	[dreg:$0x4] =	wrdreg $0x9  }
0xb1: {  	_ =	task.clear_ibuf [dreg:s7], $0x5FFFF;
	_ =	strace $0x90000046  }
0xb2: {  	s29 =	simm.s32 $0x9;
	_ =	strace $0x80000048  }
0xb3: {  	_ =	swait.ge [sflag:s29], $0x1  }
0xb4: {  	[sflag:s29] =	ssyncadd.s32 $0xFFFFFFFF  }
0xb5: {  	_ =	strace $0x90000048  }
0xb6: {  	_ =	sfence  }
0xb7: {  	s30 =	sld [smem:$0x0];
	_ =	sdelay $0x2  }
0xb8: {  	s31 =	sshll.u32 s1, $0xD;
	s1 =	sshrl.u32 s1, $0x2  }
0xb9: {  	s3 =	sand.u32 $0x4000, s31;
	s1 =	sadd.s32 s1, s30  }
0xba: {  	s0 =	sor.u32 s3, s0;
	s1 =	sshll.u32 s1, $0x11  }
0xbb: {  	s0 =	sor.u32 s1, s0  }
0xbc: {  	s0 =	sadd.s32 $0x8F2B, s0  }
0xbd: {  	[sflag:s0] =	ssyncadd.remote.s32 $0x1  }
0xbe: {  	_ =	sfence.sel $0xFFFF  }
0xbf: {  	[dreg:$0x0] =	wrdreg $0xFFFFFFFF;
	(pc) =	sbr.abs _section_cstart, $3  }
0xc0: {  	[dreg:$0x1] =	wrdreg $0xFFFFFFFF  }
0xc1: {  	_ =	task.clear_ibuf [dreg:s7], $0x2FFFF;
	_ =	strace $0x9FFFFFFF  }
0xc2: {  	(tm) =	ssettm $0x7FFFFFFF  }
0xc3: {  	_ =	shalt  }
tec
execute0_lowered:
.L_overlay_start_1:
0x0: {  	(tag) =	ssettag $0x1  }
0x1: {  	s0 =	rddreg [dreg:$0x0]  }
0x2: {  	s2 =	rddreg [dreg:$0x1];
	s14 =	stileid.u32  }
0x3: {  	s3 =	simm.s32 $0x0;
	s4 =	srdreg.scid;
	s15 =	simm.s32 $0x1  }
0x4: {  	s16 =	simm.s32 $0x5DC0;
	s18 =	simm.s32 $0x11940;
	s28 =	simm.s32 $0x17440  }
0x5: {  	s29 =	simm.s32 $0x17980;
	s30 =	simm.s32 $0x17EC0;
	s31 =	simm.s32 $0x18400  }
0x6: {  	s17 =	simm.s32 $0x0;
	s1 =	sshrl.u32 s14, $0x1;
	[smem:$0x7FF] =	sst s3  }
0x7: {  	s7 =	sand.u32 $0x1, s4;
	s6 =	sand.u32 $0x1, s14;
	s5 =	smul.u32 $0xBB8, s1  }
0x8: {  	s12 =	sand.u32 $0x7, s14;
	s20 =	sadd.s32 $0x20200, s0;
	s19 =	smul.u32 $0x1770, s1  }
0x9: {  	s21 =	sshrl.u32 s14, $0x3;
	s8 =	sshll.u32 s7, $0x1;
	s13 =	smul.u32 $0x1C0, s12  }
0xa: {  	_ =	strace $0x80000047;
	[dreg:$0x3] =	wrdreg s20;
	s1 =	smul.u32 $0x93000, s1  }
0xb: {  	s7 =	ssub.s32 $0x2, s7;
	s20 =	simm.s32 $0x13540;
	s10 =	sor.u32 s6, s8  }
0xc: {  	s6 =	sadd.s32 $0x13E00, s0;
	s12 =	sor.u32 s21, s8;
	s8 =	sadd.s32 $0x20400, s0  }
0xd: {  	s22 =	sshrl.u32 s7, $0x1;
	s21 =	simm.s32 $0x1C0;
	s4 =	smul.u32 $0xC400, s10  }
0xe: {  	s9 =	sadd.s32 s5, s0;
	s11 =	sadd.s32 s19, s0;
	s10 =	smul.u32 $0x24C00, s10  }
0xf: {  	s5 =	sadd.s32 $0x1A000, s0;
	s23 =	smul.u32 $0x24C00, s12;
	s0 =	ssub.s32 s7, s22  }
0x10: {  	s25 =	smul.u32 $0xC400, s12;
	s19 =	simm.s32 $0x12740;
	s24 =	sadd.s32 $0xE000, s9  }
0x11: {  	s22 =	simm.s32 $0xE00;
	s26 =	sadd.s32 $0x2400, s11;
	[dreg:$0x4] =	wrdreg s24  }
0x12: {  	s0 =	smax.u32 s0, $0x1;
	[dreg:$0x5] =	wrdreg s26;
	s11 =	sadd.s32 s1, s10  }
0x13: {  	s12 =	sadd.s32 s13, s23;
	s13 =	sadd.s32 s13, s25;
	[dreg:$0x6] =	wrdreg s0  }
0x14: {  	s23 =	simm.s32 $0x15F40;
	s24 =	simm.s32 $0x16480;
	s25 =	simm.s32 $0x169C0  }
0x15: {  	s26 =	simm.s32 $0x16F00;
	s0 =	simm.s32 $0x31000;
	s1 =	simm.s32 $0x18940  }
.LBB2_1:
0x16: {  	s7 =	rddreg [dreg:$0x4]  }
0x17: {  	[tilespmem:s3], [sflag:$0x1] =	stream.linear.gather [hbm4b:s7+s3], $0x5DC0, $0x38;
	[tilespmem:$0x192F0] =	vst v63  }
0x18: {  	_ =	swait.ge [sflag:s15], $0x5DC0  }
0x19: {  	[sflag:s15] =	ssyncset.done $0x0  }
0x1a: {  	s10 =	rddreg [dreg:$0x5];
	[sflag:s15] =	ssyncadd.s32 $0xFFFFA240  }
0x1b: {  	[tilespmem:s16], [sflag:$0x1] =	stream.linear.gather [hbm4b:s10+s3], $0xBB80, $0x38;
	[tilespmem:$0x192F0] =	vst v63  }
0x1c: {  	_ =	swait.ge [sflag:s15], $0xBB80  }
0x1d: {  	[sflag:s15] =	ssyncset.done $0x0  }
0x1e: {  	s9 =	simm.s32 $0x19200;
	s14 =	rddreg [dreg:$0x3];
	[sflag:s15] =	ssyncadd.s32 $0xFFFF4480  }
0x1f: {  	[tilespmem:s9], [sflag:$0x1] =	stream.linear.gather [hbm4b:s14+s3], $0xF0, $0x38;
	[tilespmem:$0x192F0] =	vst v63  }
0x20: {  	_ =	swait.ge [sflag:s15], $0xF0  }
0x21: {  	[sflag:s15] =	ssyncset.done $0x0  }
0x22: {  	[sflag:s15] =	ssyncadd.s32 $0xFFFFFF10  }
0x23: {  	v0 =	vld [tilespmem:$0x19200];
	_ =	sdelay $0x1  }
0x24: {  	v3 =	vld [tilespmem:$0x19230]  }
0x25: {  	v4 =	vld [tilespmem:$0x19240]  }
0x26: {  	v5 =	vld [tilespmem:$0x19250]  }
0x27: {  	[tilespmem:$0x1FFD0] =	vst v0;
	v0 =	vld [tilespmem:$0x19210]  }
0x28: {  	v6 =	vld [tilespmem:$0x19260]  }
0x29: {  	v7 =	vld [tilespmem:$0x19270]  }
0x2a: {  	v8 =	vld [tilespmem:$0x19280]  }
0x2b: {  	v10 =	vld [tilespmem:$0x192A0]  }
0x2c: {  	[tilespmem:$0x1FFE0] =	vst v0;
	v0 =	vld [tilespmem:$0x19220]  }
0x2d: {  	v11 =	vld [tilespmem:$0x192B0]  }
0x2e: {  	v12 =	vld [tilespmem:$0x192C0]  }
0x2f: {  	v13 =	vld [tilespmem:$0x192D0]  }
0x30: {  	v9 =	vld [tilespmem:$0x19290]  }
0x31: {  	s7 =	simm.s32 $0x0;
	v14 =	vld [tilespmem:$0x192E0];
	[tilespmem:$0x1FFF0] =	vst v0  }
.LBB2_2:
0x32: {  	s9 =	smul.u32 $0xE00, s7;
	_ =	sdelay $0x1  }
0x33: {  	s9 =	sadd.s32 s4, s9  }
0x34: {  	s9 =	sshrl.u32 s9, $0x3  }
0x35: {  	s14 =	simm.s32 $0x0;
	s10 =	sadd.s32 s5, s9  }
0x36: {  	[tilespmem:s18], [sflag:$0x1] =	stream.linear.gather [hbm4b:s10+s14], $0xE00, $0x38;
	[tilespmem:$0x192F0] =	vst v63  }
0x37: {  	_ =	swait.ge [sflag:s15], $0xE00  }
0x38: {  	[sflag:s15] =	ssyncset.done $0x0  }
0x39: {  	s9 =	sadd.s32 s6, s9;
	[sflag:s15] =	ssyncadd.s32 $0xFFFFF200  }
0x3a: {  	[tilespmem:s19], [sflag:$0x1] =	stream.linear.gather [hbm4b:s9+s14], $0xE00, $0x38;
	[tilespmem:$0x192F0] =	vst v63  }
0x3b: {  	_ =	swait.ge [sflag:s15], $0xE00  }
0x3c: {  	[sflag:s15] =	ssyncset.done $0x0  }
0x3d: {  	s9 =	simm.s32 $0x0;
	[sflag:s15] =	ssyncadd.s32 $0xFFFFF200  }
0x3e: {  	v15 =	vld [tilespmem:s9+$0x12740]  }
0x3f: {  	v16 =	vld [tilespmem:s9+$0x11940];
	_ =	sdelay $0x4  }
0x40: {  	v17 =	vmul.u32 $0x18, v15;
	v16 =	vshll.u32 v16, $0x3;
	_ =	sdelay $0x1  }
0x41: {  	v15 =	vor.u32 $0x3, v16  }
0x42: {  	v18 =	vor.u32 $0x2, v16  }
0x43: {  	v20 =	vor.u32 $0x1, v16  }
0x44: {  	v19 =	vadd.s32 $0xA, v17;
	v23 =	vld.idx.msk [tilespmem:v16+s3+$0x0], $0xffff  }
0x45: {  	v21 =	vadd.s32 $0x12, v17;
	v22 =	vld.idx.msk [tilespmem:v17+s16+$0x0], $0xffff  }
0x46: {  	v39 =	vor.u32 $0x5, v17;
	v25 =	vld.idx.msk [tilespmem:v15+s3+$0x0], $0xffff  }
0x47: {  	v27 =	vadd.s32 $0x9, v17;
	v28 =	vld.idx.msk [tilespmem:v18+s3+$0x0], $0xffff  }
0x48: {  	v48 =	vor.u32 $0x1, v17;
	v36 =	vld.idx.msk [tilespmem:v20+s3+$0x0], $0xffff  }
0x49: {  	v26 =	vadd.s32 $0x10, v17;
	v31 =	vld.idx.msk [tilespmem:v19+s16+$0x0], $0xffff  }
0x4a: {  	v30 =	vadd.s32 $0x11, v17;
	v40 =	vld.idx.msk [tilespmem:v21+s16+$0x0], $0xffff  }
0x4b: {  	v29 =	vadd.s32 $0x13, v17;
	v39 =	vld.idx.msk [tilespmem:v39+s16+$0x0], $0xffff  }
0x4c: {  	v15 =	vor.u32 $0x6, v17;
	v27 =	vld.idx.msk [tilespmem:v27+s16+$0x0], $0xffff  }
0x4d: {  	v18 =	vor.u32 $0x2, v17;
	v48 =	vld.idx.msk [tilespmem:v48+s16+$0x0], $0xffff  }
0x4e: {  	v37 =	vor.u32 $0x4, v16;
	v44 =	vor.u32 $0x5, v16;
	v32 =	vadd.s32 $0xE, v17;
	v26 =	vld.idx.msk [tilespmem:v26+s16+$0x0], $0xffff  }
0x4f: {  	v55 =	vor.u32 $0x6, v16;
	v1 =	vor.u32 $0x7, v16;
	v35 =	vor.u32 $0x7, v17;
	v30 =	vld.idx.msk [tilespmem:v30+s16+$0x0], $0xffff  }
0x50: {  	v24 =	vadd.s32 $0x8, v17;
	v33 =	vor.u32 $0x3, v17;
	v34 =	vadd.s32 $0xB, v17;
	v29 =	vld.idx.msk [tilespmem:v29+s16+$0x0], $0xffff  }
0x51: {  	v38 =	vor.u32 $0x4, v17;
	v41 =	vadd.s32 $0xC, v17;
	v42 =	vadd.s32 $0x14, v17;
	v21 =	vld.idx.msk [tilespmem:v15+s16+$0x0], $0xffff  }
0x52: {  	v43 =	vadd.s32 $0x16, v17;
	v45 =	vadd.s32 $0xD, v17;
	v46 =	vadd.s32 $0x15, v17;
	v47 =	vld.idx.msk [tilespmem:v18+s16+$0x0], $0xffff  }
0x53: {  	v0 =	vadd.s32 $0x17, v17;
	v2 =	vadd.s32 $0xF, v17;
	v49 =	vunpack.i.l.bf16.f32 v23;
	v15 =	vld.idx.msk [tilespmem:v32+s16+$0x0], $0xffff  }
0x54: {  	v18 =	vunpack.i.l.bf16.f32 v22;
	v32 =	vld.idx.msk [tilespmem:v35+s16+$0x0], $0xffff;
	v35 =	vunpack.i.u.bf16.f32 v23;
	v23 =	vunpack.i.u.bf16.f32 v22  }
0x55: {  	v34 =	vld.idx.msk [tilespmem:v34+s16+$0x0], $0xffff;
	v50 =	vunpack.i.l.bf16.f32 v36;
	v36 =	vunpack.i.u.bf16.f32 v36;
	v52 =	vunpack.i.l.bf16.f32 v28  }
0x56: {  	v38 =	vld.idx.msk [tilespmem:v38+s16+$0x0], $0xffff;
	v28 =	vunpack.i.u.bf16.f32 v28;
	v16 =	vmul.f32 v18, v49;
	v17 =	vmul.f32 v23, v35  }
0x57: {  	v56 =	vunpack.i.l.bf16.f32 v31;
	v57 =	vunpack.i.l.bf16.f32 v39;
	v59 =	vunpack.i.l.bf16.f32 v48  }
0x58: {  	v60 =	vunpack.i.u.bf16.f32 v27;
	v27 =	vunpack.i.l.bf16.f32 v27;
	v31 =	vunpack.i.u.bf16.f32 v31  }
0x59: {  	v33 =	vld.idx.msk [tilespmem:v33+s16+$0x0], $0xffff;
	v61 =	vunpack.i.u.bf16.f32 v26;
	v48 =	vunpack.i.u.bf16.f32 v48;
	v26 =	vunpack.i.l.bf16.f32 v26  }
0x5a: {  	v62 =	vunpack.i.u.bf16.f32 v30;
	v30 =	vunpack.i.l.bf16.f32 v30;
	v63 =	vunpack.i.l.bf16.f32 v29  }
0x5b: {  	v18 =	vunpack.i.u.bf16.f32 v34;
	v19 =	vunpack.i.l.bf16.f32 v38;
	v34 =	vunpack.i.l.bf16.f32 v34  }
0x5c: {  	v44 =	vld.idx.msk [tilespmem:v44+s3+$0x0], $0xffff;
	v38 =	vunpack.i.u.bf16.f32 v38;
	v56 =	vmul.f32 v56, v52;
	v59 =	vmul.f32 v59, v50  }
0x5d: {  	v37 =	vld.idx.msk [tilespmem:v37+s3+$0x0], $0xffff;
	v29 =	vunpack.i.u.bf16.f32 v29;
	v61 =	vmul.f32 v61, v35;
	v27 =	vmul.f32 v27, v50  }
0x5e: {  	v30 =	vmul.f32 v30, v50;
	v50 =	vunpack.i.l.bf16.f32 v33;
	v60 =	vmul.f32 v60, v36  }
0x5f: {  	v24 =	vld.idx.msk [tilespmem:v24+s16+$0x0], $0xffff;
	v48 =	vmul.f32 v48, v36;
	v26 =	vmul.f32 v26, v49;
	v33 =	vunpack.i.u.bf16.f32 v33  }
0x60: {  	v23 =	vadd.f32 $0.0e+00, v16;
	v16 =	vld.idx.msk [tilespmem:v43+s16+$0x0], $0xffff;
	v43 =	vunpack.i.l.bf16.f32 v25;
	v25 =	vunpack.i.u.bf16.f32 v25  }
0x61: {  	v41 =	vld.idx.msk [tilespmem:v41+s16+$0x0], $0xffff;
	v36 =	vmul.f32 v62, v36;
	v62 =	vunpack.i.l.bf16.f32 v44;
	v20 =	vmul.f32 v18, v25  }
0x62: {  	v18 =	vunpack.i.l.bf16.f32 v37;
	v50 =	vmul.f32 v50, v43;
	v34 =	vmul.f32 v34, v43  }
0x63: {  	v51 =	vadd.f32 v23, v17;
	v17 =	vunpack.i.u.bf16.f32 v40;
	v53 =	vunpack.i.u.bf16.f32 v47  }
0x64: {  	v37 =	vunpack.i.u.bf16.f32 v37;
	v53 =	vmul.f32 v53, v28;
	v58 =	vmul.f32 v17, v28  }
0x65: {  	v28 =	vmul.f32 v31, v28;
	v31 =	vunpack.i.u.bf16.f32 v24;
	v24 =	vunpack.i.l.bf16.f32 v24  }
0x66: {  	v42 =	vld.idx.msk [tilespmem:v42+s16+$0x0], $0xffff;
	v43 =	vmul.f32 v63, v43;
	v63 =	vunpack.i.l.bf16.f32 v41;
	v24 =	vmul.f32 v24, v49  }
0x67: {  	v26 =	vadd.f32 $0.0e+00, v26;
	v33 =	vmul.f32 v33, v25;
	v25 =	vmul.f32 v29, v25  }
0x68: {  	v51 =	vadd.f32 v59, v51;
	v31 =	vmul.f32 v31, v35;
	v24 =	vadd.f32 $0.0e+00, v24  }
0x69: {  	v47 =	vunpack.i.l.bf16.f32 v47;
	v40 =	vunpack.i.l.bf16.f32 v40;
	v38 =	vmul.f32 v38, v37  }
0x6a: {  	v47 =	vmul.f32 v47, v52;
	v24 =	vadd.f32 v24, v31;
	v31 =	vadd.f32 v51, v48  }
0x6b: {  	v40 =	vmul.f32 v40, v52;
	v26 =	vadd.f32 v26, v61;
	v59 =	vunpack.i.l.bf16.f32 v42  }
0x6c: {  	v42 =	vunpack.i.u.bf16.f32 v42;
	v31 =	vadd.f32 v47, v31;
	v24 =	vadd.f32 v27, v24  }
0x6d: {  	v52 =	vunpack.i.u.bf16.f32 v44;
	v49 =	vmul.f32 v42, v37;
	v26 =	vadd.f32 v30, v26  }
0x6e: {  	v27 =	vunpack.i.u.bf16.f32 v41;
	v30 =	vadd.f32 v31, v53;
	v31 =	vld.idx.msk [tilespmem:v46+s16+$0x0], $0xffff;
	v24 =	vadd.f32 v24, v60  }
0x6f: {  	v26 =	vadd.f32 v26, v36;
	v37 =	vmul.f32 v27, v37;
	v27 =	vunpack.i.u.bf16.f32 v39  }
0x70: {  	v53 =	vld.idx.msk [tilespmem:v55+s3+$0x0], $0xffff;
	v55 =	vmul.f32 v27, v52;
	v30 =	vadd.f32 v50, v30;
	v27 =	vadd.f32 v56, v24  }
0x71: {  	v23 =	vunpack.i.u.bf16.f32 v21;
	v54 =	vunpack.i.l.bf16.f32 v15;
	v26 =	vadd.f32 v40, v26  }
0x72: {  	v19 =	vmul.f32 v19, v18;
	v30 =	vadd.f32 v30, v33;
	v27 =	vadd.f32 v27, v28  }
0x73: {  	v45 =	vld.idx.msk [tilespmem:v45+s16+$0x0], $0xffff;
	v48 =	vmul.f32 v59, v18;
	v29 =	vadd.f32 v26, v58;
	v28 =	vunpack.i.l.bf16.f32 v31  }
0x74: {  	v19 =	vadd.f32 v19, v30;
	v30 =	vmul.f32 v28, v62;
	v28 =	vadd.f32 v34, v27  }
0x75: {  	v18 =	vmul.f32 v63, v18;
	v59 =	vmul.f32 v57, v62;
	v29 =	vadd.f32 v43, v29  }
0x76: {  	v27 =	vunpack.i.u.bf16.f32 v31;
	v31 =	vadd.f32 v19, v38;
	v20 =	vadd.f32 v28, v20  }
0x77: {  	v22 =	vunpack.i.l.bf16.f32 v32;
	v61 =	vunpack.i.u.bf16.f32 v32;
	v25 =	vadd.f32 v29, v25  }
0x78: {  	v63 =	vunpack.i.l.bf16.f32 v45;
	v29 =	vadd.f32 v59, v31;
	v18 =	vadd.f32 v18, v20  }
0x79: {  	v51 =	vmul.f32 v63, v62;
	v60 =	vld.idx.msk [tilespmem:v1+s3+$0x0], $0xffff;
	v26 =	vunpack.i.l.bf16.f32 v53;
	v28 =	vunpack.i.l.bf16.f32 v21  }
0x7a: {  	v31 =	vmul.f32 v28, v26;
	v29 =	vadd.f32 v29, v55;
	v18 =	vadd.f32 v18, v37  }
0x7b: {  	v17 =	vunpack.i.l.bf16.f32 v16;
	v24 =	vunpack.i.u.bf16.f32 v45;
	v25 =	vadd.f32 v48, v25;
	v19 =	vld.idx.msk [tilespmem:v2+s16+$0x0], $0xffff  }
0x7c: {  	v24 =	vmul.f32 v24, v52;
	v29 =	vadd.f32 v31, v29;
	v31 =	vadd.f32 v51, v18;
	v18 =	vld.idx.msk [tilespmem:v0+s16+$0x0], $0xffff  }
0x7d: {  	v27 =	vmul.f32 v27, v52;
	v63 =	vadd.f32 v25, v49;
	v28 =	vunpack.i.u.bf16.f32 v53  }
0x7e: {  	v21 =	vmul.f32 v54, v26;
	v20 =	vunpack.i.l.bf16.f32 v60;
	v62 =	vmul.f32 v23, v28  }
0x7f: {  	v32 =	vadd.f32 v30, v63;
	v25 =	vmul.f32 v22, v20;
	v22 =	vunpack.i.u.bf16.f32 v60  }
0x80: {  	s10 =	simm.s32 $0x40;
	v23 =	vunpack.i.u.bf16.f32 v19;
	v30 =	vadd.f32 v29, v62;
	v29 =	vmul.f32 v61, v22  }
.LBB2_3:
0x81: {  	s14 =	sshra.s32 s10, $0x2;
	p0 =	sne.s32 s10, $0x37C0;
	s10 =	sadd.s32 $0x40, s10;
	v24 =	vadd.f32 v31, v24;
	v16 =	vunpack.i.u.bf16.f32 v16;
	v31 =	vunpack.i.l.bf16.f32 v18  }
0x82: {  	v17 =	vmul.f32 v17, v26;
	v33 =	vld [tilespmem:s14+$0x12740];
	v27 =	vadd.f32 v32, v27;
	v25 =	vadd.f32 v25, v30  }
0x83: {  	v15 =	vunpack.i.u.bf16.f32 v15;
	v16 =	vmul.f32 v16, v28;
	v26 =	vld [tilespmem:s14+$0x11940];
	v21 =	vadd.f32 v21, v24  }
0x84: {  	v15 =	vmul.f32 v15, v28;
	v17 =	vadd.f32 v17, v27;
	v24 =	vadd.f32 v25, v29  }
0x85: {  	v19 =	vunpack.i.l.bf16.f32 v19;
	v18 =	vunpack.i.u.bf16.f32 v18;
	v25 =	vmul.f32 v31, v20  }
0x86: {  	v15 =	vadd.f32 v21, v15;
	v16 =	vadd.f32 v17, v16;
	v17 =	vmul.f32 v19, v20;
	[tilespmem:s9+$0x13540] =	vst v24  }
0x87: {  	v18 =	vmul.f32 v18, v22;
	v19 =	vmul.f32 v23, v22;
	v20 =	vmul.u32 $0x18, v33  }
0x88: {  	v21 =	vshll.u32 v26, $0x3;
	v15 =	vadd.f32 v17, v15;
	v16 =	vadd.f32 v25, v16  }
0x89: {  	v17 =	vadd.s32 $0x8, v20;
	v25 =	vadd.s32 $0x10, v20;
	v23 =	vadd.s32 $0x9, v20  }
0x8a: {  	v22 =	vadd.s32 $0xA, v20;
	v29 =	vadd.s32 $0x13, v20;
	v15 =	vadd.f32 v15, v19  }
0x8b: {  	v27 =	vor.u32 $0x1, v21;
	v19 =	vor.u32 $0x3, v21;
	v16 =	vadd.f32 v16, v18  }
0x8c: {  	v30 =	vadd.s32 $0x11, v20;
	v31 =	vor.u32 $0x3, v20;
	v18 =	vor.u32 $0x2, v21;
	[tilespmem:s9+$0x14340] =	vst v15  }
0x8d: {  	v32 =	vadd.s32 $0xB, v20;
	v33 =	vor.u32 $0x4, v21;
	v15 =	vadd.s32 $0x12, v20;
	[tilespmem:s9+$0x15140] =	vst v16;
	s9 =	smov.u32 s14  }
0x8e: {  	v34 =	vor.u32 $0x4, v20;
	v35 =	vadd.s32 $0xC, v20;
	v36 =	vadd.s32 $0x14, v20;
	v16 =	vld.idx.msk [tilespmem:v20+s16+$0x0], $0xffff  }
0x8f: {  	v37 =	vor.u32 $0x5, v21;
	v38 =	vor.u32 $0x5, v20;
	v39 =	vadd.s32 $0xD, v20;
	v28 =	vld.idx.msk [tilespmem:v21+s3+$0x0], $0xffff  }
0x90: {  	v26 =	vadd.s32 $0x15, v20;
	v24 =	vor.u32 $0x6, v21;
	v41 =	vor.u32 $0x6, v20;
	v40 =	vld.idx.msk [tilespmem:v19+s3+$0x0], $0xffff  }
0x91: {  	v43 =	vor.u32 $0x2, v20;
	v44 =	vor.u32 $0x7, v20;
	v19 =	vor.u32 $0x7, v21;
	v42 =	vld.idx.msk [tilespmem:v18+s3+$0x0], $0xffff  }
0x92: {  	v46 =	vadd.s32 $0x16, v20;
	v18 =	vadd.s32 $0x17, v20;
	v45 =	vld.idx.msk [tilespmem:v22+s16+$0x0], $0xffff;
	v22 =	vadd.s32 $0xE, v20  }
0x93: {  	v48 =	vor.u32 $0x1, v20;
	v20 =	vadd.s32 $0xF, v20;
	v47 =	vld.idx.msk [tilespmem:v27+s3+$0x0], $0xffff  }
0x94: {  	v27 =	vunpack.i.l.bf16.f32 v16;
	v49 =	vld.idx.msk [tilespmem:v15+s16+$0x0], $0xffff  }
0x95: {  	v50 =	vunpack.i.u.bf16.f32 v28;
	v51 =	vunpack.i.l.bf16.f32 v28;
	v15 =	vunpack.i.u.bf16.f32 v16;
	v21 =	vld.idx.msk [tilespmem:v41+s16+$0x0], $0xffff  }
0x96: {  	v16 =	vmul.f32 v27, v51;
	v28 =	vmul.f32 v15, v50;
	v41 =	vld.idx.msk [tilespmem:v43+s16+$0x0], $0xffff;
	v43 =	vunpack.i.l.bf16.f32 v40  }
0x97: {  	v27 =	vunpack.i.u.bf16.f32 v40;
	v15 =	vld.idx.msk [tilespmem:v22+s16+$0x0], $0xffff  }
0x98: {  	v40 =	vadd.f32 $0.0e+00, v16;
	v22 =	vld.idx.msk [tilespmem:v44+s16+$0x0], $0xffff  }
0x99: {  	v44 =	vunpack.i.l.bf16.f32 v47;
	v38 =	vld.idx.msk [tilespmem:v38+s16+$0x0], $0xffff  }
0x9a: {  	v16 =	vld.idx.msk [tilespmem:v46+s16+$0x0], $0xffff  }
0x9b: {  	v40 =	vadd.f32 v40, v28;
	v46 =	vunpack.i.u.bf16.f32 v47;
	v47 =	vld.idx.msk [tilespmem:v23+s16+$0x0], $0xffff;
	v23 =	vunpack.i.u.bf16.f32 v21  }
0x9c: {  	v48 =	vld.idx.msk [tilespmem:v48+s16+$0x0], $0xffff  }
0x9d: {  	v53 =	vunpack.i.l.bf16.f32 v42;
	v52 =	vld.idx.msk [tilespmem:v17+s16+$0x0], $0xffff;
	v17 =	vunpack.i.u.bf16.f32 v49  }
0x9e: {  	v55 =	vunpack.i.u.bf16.f32 v41;
	v28 =	vunpack.i.l.bf16.f32 v15;
	v54 =	vld.idx.msk [tilespmem:v25+s16+$0x0], $0xffff;
	v25 =	vunpack.i.l.bf16.f32 v22  }
0x9f: {  	v42 =	vunpack.i.u.bf16.f32 v42;
	v56 =	vunpack.i.l.bf16.f32 v45;
	v57 =	vunpack.i.l.bf16.f32 v38;
	v30 =	vld.idx.msk [tilespmem:v30+s16+$0x0], $0xffff  }
0xa0: {  	v41 =	vunpack.i.l.bf16.f32 v41;
	v55 =	vmul.f32 v55, v42;
	v58 =	vmul.f32 v17, v42;
	v29 =	vld.idx.msk [tilespmem:v29+s16+$0x0], $0xffff  }
0xa1: {  	v41 =	vmul.f32 v41, v53;
	v17 =	vunpack.i.l.bf16.f32 v16;
	v33 =	vld.idx.msk [tilespmem:v33+s3+$0x0], $0xffff  }
0xa2: {  	v56 =	vmul.f32 v56, v53;
	v60 =	vunpack.i.u.bf16.f32 v47;
	v59 =	vunpack.i.l.bf16.f32 v48;
	v32 =	vld.idx.msk [tilespmem:v32+s16+$0x0], $0xffff  }
0xa3: {  	v45 =	vunpack.i.u.bf16.f32 v45;
	v47 =	vunpack.i.l.bf16.f32 v47;
	v59 =	vmul.f32 v59, v44;
	v31 =	vld.idx.msk [tilespmem:v31+s16+$0x0], $0xffff  }
0xa4: {  	v42 =	vmul.f32 v45, v42;
	v48 =	vunpack.i.u.bf16.f32 v48;
	v61 =	vunpack.i.u.bf16.f32 v54;
	v34 =	vld.idx.msk [tilespmem:v34+s16+$0x0], $0xffff  }
0xa5: {  	v45 =	vunpack.i.u.bf16.f32 v52;
	v52 =	vunpack.i.l.bf16.f32 v52;
	v54 =	vunpack.i.l.bf16.f32 v54  }
0xa6: {  	v49 =	vunpack.i.l.bf16.f32 v49;
	v62 =	vunpack.i.u.bf16.f32 v30;
	v30 =	vunpack.i.l.bf16.f32 v30  }
0xa7: {  	v47 =	vmul.f32 v47, v44;
	v61 =	vmul.f32 v61, v50;
	v63 =	vunpack.i.l.bf16.f32 v29  }
0xa8: {  	v52 =	vmul.f32 v52, v51;
	v30 =	vmul.f32 v30, v44;
	v44 =	vunpack.i.u.bf16.f32 v32;
	v37 =	vld.idx.msk [tilespmem:v37+s3+$0x0], $0xffff  }
0xa9: {  	v1 =	vunpack.i.l.bf16.f32 v33;
	v0 =	vunpack.i.l.bf16.f32 v31;
	v44 =	vmul.f32 v44, v27;
	v36 =	vld.idx.msk [tilespmem:v36+s16+$0x0], $0xffff  }
0xaa: {  	v33 =	vunpack.i.u.bf16.f32 v33;
	v0 =	vmul.f32 v0, v43;
	v2 =	vunpack.i.l.bf16.f32 v34;
	v35 =	vld.idx.msk [tilespmem:v35+s16+$0x0], $0xffff  }
0xab: {  	v60 =	vmul.f32 v60, v46;
	v32 =	vunpack.i.l.bf16.f32 v32;
	v2 =	vmul.f32 v2, v1  }
0xac: {  	v40 =	vadd.f32 v59, v40;
	v52 =	vadd.f32 $0.0e+00, v52;
	v32 =	vmul.f32 v32, v43  }
0xad: {  	v49 =	vmul.f32 v49, v53;
	v43 =	vmul.f32 v63, v43;
	v34 =	vunpack.i.u.bf16.f32 v34;
	v39 =	vld.idx.msk [tilespmem:v39+s16+$0x0], $0xffff  }
0xae: {  	v48 =	vmul.f32 v48, v46;
	v34 =	vmul.f32 v34, v33;
	v53 =	vunpack.i.u.bf16.f32 v37  }
0xaf: {  	v45 =	vmul.f32 v45, v50;
	v50 =	vmul.f32 v54, v51;
	v29 =	vunpack.i.u.bf16.f32 v29  }
0xb0: {  	v31 =	vunpack.i.u.bf16.f32 v31;
	v54 =	vunpack.i.l.bf16.f32 v36;
	v51 =	vunpack.i.l.bf16.f32 v35  }
0xb1: {  	v40 =	vadd.f32 v40, v48;
	v45 =	vadd.f32 v52, v45;
	v48 =	vmul.f32 v54, v1  }
0xb2: {  	v46 =	vmul.f32 v62, v46;
	v50 =	vadd.f32 $0.0e+00, v50;
	v1 =	vmul.f32 v51, v1  }
0xb3: {  	v31 =	vmul.f32 v31, v27;
	v37 =	vunpack.i.l.bf16.f32 v37;
	v51 =	vunpack.i.l.bf16.f32 v39  }
0xb4: {  	v50 =	vadd.f32 v50, v61;
	v40 =	vadd.f32 v41, v40;
	v36 =	vunpack.i.u.bf16.f32 v36  }
0xb5: {  	v41 =	vadd.f32 v47, v45;
	v35 =	vunpack.i.u.bf16.f32 v35;
	v36 =	vmul.f32 v36, v33;
	v26 =	vld.idx.msk [tilespmem:v26+s16+$0x0], $0xffff  }
0xb6: {  	v30 =	vadd.f32 v30, v50;
	v40 =	vadd.f32 v40, v55;
	v33 =	vmul.f32 v35, v33  }
0xb7: {  	v38 =	vunpack.i.u.bf16.f32 v38;
	v35 =	vadd.f32 v41, v60;
	v41 =	vmul.f32 v51, v37;
	v45 =	vld.idx.msk [tilespmem:v24+s3+$0x0], $0xffff  }
0xb8: {  	v0 =	vadd.f32 v0, v40;
	v24 =	vadd.f32 v30, v46;
	v30 =	vmul.f32 v38, v53  }
0xb9: {  	v35 =	vadd.f32 v56, v35;
	v39 =	vunpack.i.u.bf16.f32 v39;
	v38 =	vmul.f32 v57, v37  }
0xba: {  	v0 =	vadd.f32 v0, v31;
	v40 =	vadd.f32 v49, v24;
	v24 =	vmul.f32 v39, v53  }
0xbb: {  	v29 =	vmul.f32 v29, v27;
	v31 =	vadd.f32 v35, v42;
	v27 =	vunpack.i.l.bf16.f32 v26  }
0xbc: {  	v0 =	vadd.f32 v2, v0;
	v35 =	vadd.f32 v40, v58;
	v2 =	vmul.f32 v27, v37  }
0xbd: {  	v31 =	vadd.f32 v32, v31;
	v27 =	vunpack.i.u.bf16.f32 v26;
	v26 =	vunpack.i.l.bf16.f32 v45;
	v32 =	vld.idx.msk [tilespmem:v19+s3+$0x0], $0xffff  }
0xbe: {  	v0 =	vadd.f32 v0, v34;
	v27 =	vmul.f32 v27, v53;
	v35 =	vadd.f32 v43, v35  }
0xbf: {  	v34 =	vunpack.i.l.bf16.f32 v21;
	v31 =	vadd.f32 v31, v44;
	v21 =	vmul.f32 v28, v26;
	v19 =	vld.idx.msk [tilespmem:v20+s16+$0x0], $0xffff  }
0xc0: {  	v0 =	vadd.f32 v38, v0;
	v20 =	vadd.f32 v35, v29;
	v29 =	vmul.f32 v34, v26  }
0xc1: {  	v1 =	vadd.f32 v1, v31;
	v28 =	vunpack.i.u.bf16.f32 v45;
	v34 =	vunpack.i.u.bf16.f32 v22;
	v18 =	vld.idx.msk [tilespmem:v18+s16+$0x0], $0xffff  }
.Ltmp0:
0xc2: {  	v0 =	vadd.f32 v0, v30;
	v30 =	vmul.f32 v23, v28;
	v22 =	vadd.f32 v48, v20;
	(pc) =	sbr.rel @p0 .LBB2_3-.Ltmp0, $4  }
0xc3: {  	v1 =	vadd.f32 v1, v33;
	v20 =	vunpack.i.l.bf16.f32 v32  }
0xc4: {  	v0 =	vadd.f32 v29, v0;
	v33 =	vadd.f32 v22, v36;
	v25 =	vmul.f32 v25, v20  }
0xc5: {  	v31 =	vadd.f32 v41, v1;
	v22 =	vunpack.i.u.bf16.f32 v32;
	v23 =	vunpack.i.u.bf16.f32 v19  }
0xc6: {  	v30 =	vadd.f32 v0, v30;
	v29 =	vmul.f32 v34, v22;
	v32 =	vadd.f32 v2, v33  }
0xc7: {  	v0 =	vadd.f32 v31, v24  }
0xc8: {  	v2 =	vmul.f32 v17, v26;
	v15 =	vunpack.i.u.bf16.f32 v15;
	v1 =	vadd.f32 v32, v27  }
0xc9: {  	v16 =	vunpack.i.u.bf16.f32 v16;
	v15 =	vmul.f32 v15, v28;
	v0 =	vadd.f32 v21, v0  }
0xca: {  	v16 =	vmul.f32 v16, v28;
	v1 =	vadd.f32 v2, v1;
	v2 =	vunpack.i.l.bf16.f32 v19  }
0xcb: {  	v61 =	vunpack.i.l.bf16.f32 v18;
	v0 =	vadd.f32 v0, v15;
	v2 =	vmul.f32 v2, v20  }
0xcc: {  	v17 =	vmul.f32 v61, v20;
	v15 =	vadd.f32 v25, v30;
	v1 =	vadd.f32 v1, v16  }
0xcd: {  	v62 =	vunpack.i.u.bf16.f32 v18;
	v63 =	vmul.f32 v23, v22;
	v0 =	vadd.f32 v2, v0  }
0xce: {  	s10 =	smul.u32 $0x2A00, s7;
	v2 =	vadd.f32 v15, v29;
	v15 =	vmul.f32 v62, v22;
	v1 =	vadd.f32 v17, v1  }
0xcf: {  	v0 =	vadd.f32 v0, v63  }
0xd0: {  	s7 =	sadd.s32 $0x1, s7;
	s10 =	sadd.s32 s10, s11;
	[tilespmem:s9+$0x13540] =	vst v2;
	v1 =	vadd.f32 v1, v15  }
0xd1: {  	p0 =	sne.s32 s7, $0xE;
	s10 =	sshrl.u32 s10, $0x3;
	[tilespmem:s9+$0x14340] =	vst v0  }
.Ltmp1:
0xd2: {  	s14 =	sadd.s32 s8, s10;
	[tilespmem:s9+$0x15140] =	vst v1;
	(pc) =	sbr.rel @p0 .LBB2_2-.Ltmp1, $4  }
0xd3: {  	[hbm4b:s14+s3] =	stream.linear.scatter [tilespmem:s20], [sflag:$0x1], $0x2A00, $0x38;
	[tilespmem:$0x192F0] =	vst v63  }
0xd4: {  	_ =	swait.ge [sflag:s15], $0x2A00  }
0xd5: {  	[sflag:s15] =	ssyncset.done $0x0  }
0xd6: {  	[sflag:s15] =	ssyncadd.s32 $0xFFFFD600  }
0xd7: {  	[bflag:$0x0] =	sbarrier.arrive $0xFFFF  }
0xd8: {  	v34 =	vld [tilespmem:$0x1FFD0]  }
0xd9: {  	v35 =	vld [tilespmem:$0x1FFE0]  }
0xda: {  	s7 =	simm.s32 $0x0;
	v36 =	vld [tilespmem:$0x1FFF0]  }
.LBB2_6:
0xdb: {  	s9 =	smul.u32 $0x2A00, s7;
	_ =	sdelay $0x1  }
0xdc: {  	s9 =	sadd.s32 s9, s12  }
0xdd: {  	s9 =	sshrl.u32 s9, $0x3  }
0xde: {  	s9 =	sadd.s32 s8, s9  }
0xdf: {  	[tilespmem:s23], [sflag:$0x1] =	stream.strided.gather [hbm4b:s9+s21], $0x540, s22, s21, $0x38;
	[tilespmem:$0x192F0] =	vst v63  }
0xe0: {  	s10 =	sadd.s32 $0x12600, s9  }
0xe1: {  	[tilespmem:s24], [sflag:$0x1] =	stream.strided.gather [hbm4b:s10+s21], $0x540, s22, s21, $0x38;
	[tilespmem:$0x192F0] =	vst v63  }
0xe2: {  	s14 =	sadd.s32 $0x24C00, s9  }
0xe3: {  	[tilespmem:s25], [sflag:$0x1] =	stream.strided.gather [hbm4b:s14+s21], $0x540, s22, s21, $0x38;
	[tilespmem:$0x192F0] =	vst v63  }
0xe4: {  	s14 =	sadd.s32 $0x37200, s9  }
0xe5: {  	[tilespmem:s26], [sflag:$0x1] =	stream.strided.gather [hbm4b:s14+s21], $0x540, s22, s21, $0x38;
	[tilespmem:$0x192F0] =	vst v63  }
0xe6: {  	s14 =	sadd.s32 $0x49800, s9  }
0xe7: {  	[tilespmem:s28], [sflag:$0x1] =	stream.strided.gather [hbm4b:s14+s21], $0x540, s22, s21, $0x38;
	[tilespmem:$0x192F0] =	vst v63  }
0xe8: {  	s14 =	sadd.s32 $0x5BE00, s9  }
0xe9: {  	[tilespmem:s29], [sflag:$0x1] =	stream.strided.gather [hbm4b:s14+s21], $0x540, s22, s21, $0x38;
	[tilespmem:$0x192F0] =	vst v63  }
0xea: {  	s14 =	sadd.s32 $0x6E400, s9  }
0xeb: {  	[tilespmem:s30], [sflag:$0x1] =	stream.strided.gather [hbm4b:s14+s21], $0x540, s22, s21, $0x38;
	[tilespmem:$0x192F0] =	vst v63  }
0xec: {  	s9 =	sadd.s32 $0x80A00, s9  }
0xed: {  	[tilespmem:s31], [sflag:$0x1] =	stream.strided.gather [hbm4b:s9+s21], $0x540, s22, s21, $0x38;
	[tilespmem:$0x192F0] =	vst v63  }
0xee: {  	_ =	swait.ge [sflag:s15], $0x2A00  }
0xef: {  	[sflag:s15] =	ssyncset.done $0x0  }
0xf0: {  	s10 =	simm.s32 $0x0;
	[sflag:s15] =	ssyncadd.s32 $0xFFFFD600  }
0xf1: {  	v0 =	vld [tilespmem:s10+$0x18400]  }
0xf2: {  	v1 =	vld [tilespmem:s10+$0x17EC0]  }
0xf3: {  	v2 =	vld [tilespmem:s10+$0x17980]  }
0xf4: {  	v15 =	vld [tilespmem:s10+$0x17440]  }
0xf5: {  	v16 =	vld [tilespmem:s10+$0x16F00]  }
0xf6: {  	v17 =	vld [tilespmem:s10+$0x169C0]  }
0xf7: {  	v18 =	vld [tilespmem:s10+$0x162C0]  }
0xf8: {  	v19 =	vld [tilespmem:s10+$0x15F40]  }
0xf9: {  	v20 =	vld [tilespmem:s10+$0x16480]  }
0xfa: {  	v21 =	vld [tilespmem:s10+$0x16100]  }
0xfb: {  	v22 =	vld [tilespmem:s10+$0x16640]  }
0xfc: {  	v23 =	vld [tilespmem:s10+$0x16800]  }
0xfd: {  	v24 =	vld [tilespmem:s10+$0x16B80]  }
0xfe: {  	v25 =	vld [tilespmem:s10+$0x16D40]  }
0xff: {  	v26 =	vld [tilespmem:s10+$0x170C0];
	v19 =	vadd.f32 v20, v19  }
0x100: {  	v20 =	vadd.f32 v22, v21;
	v21 =	vld [tilespmem:s10+$0x17280]  }
0x101: {  	v22 =	vld [tilespmem:s10+$0x17600];
	v17 =	vadd.f32 v17, v19  }
0x102: {  	v18 =	vadd.f32 v23, v18;
	v23 =	vld [tilespmem:s10+$0x17B40];
	v19 =	vadd.f32 v24, v20  }
0x103: {  	v20 =	vld [tilespmem:s10+$0x177C0];
	v16 =	vadd.f32 v16, v17  }
0x104: {  	v18 =	vadd.f32 v25, v18;
	v24 =	vld [tilespmem:s10+$0x18080];
	v17 =	vadd.f32 v26, v19  }
0x105: {  	v19 =	vld [tilespmem:s10+$0x17D00];
	v15 =	vadd.f32 v15, v16  }
0x106: {  	v18 =	vadd.f32 v21, v18;
	v21 =	vld [tilespmem:s10+$0x18240];
	v16 =	vadd.f32 v22, v17  }
0x107: {  	s9 =	simm.s32 $0x10;
	v22 =	vld [tilespmem:s10+$0x185C0];
	v2 =	vadd.f32 v2, v15  }
0x108: {  	v25 =	vld [tilespmem:s9+$0x16480];
	v17 =	vadd.f32 v20, v18;
	v18 =	vadd.f32 v23, v16  }
0x109: {  	v23 =	vld [tilespmem:s10+$0x18780];
	v1 =	vadd.f32 v1, v2  }
0x10a: {  	v20 =	vld [tilespmem:s9+$0x169C0];
	v19 =	vadd.f32 v19, v17;
	v2 =	vadd.f32 v24, v18  }
0x10b: {  	v16 =	vld [tilespmem:s9+$0x18400];
	v0 =	vadd.f32 v0, v1  }
0x10c: {  	v15 =	vld [tilespmem:s9+$0x17EC0];
	v21 =	vadd.f32 v21, v19;
	v24 =	vadd.f32 v22, v2  }
0x10d: {  	v17 =	vld [tilespmem:s9+$0x17980];
	v1 =	vmul.f32 v0, v4  }
0x10e: {  	v18 =	vld [tilespmem:s9+$0x17440];
	v22 =	vadd.f32 v23, v21;
	v2 =	vmul.f32 v24, v9;
	v26 =	vmul.f32 v0, v34  }
0x10f: {  	v19 =	vld [tilespmem:s9+$0x16F00];
	v27 =	vmul.f32 v24, v5;
	v28 =	vmul.f32 v0, v35  }
0x110: {  	v21 =	vld [tilespmem:s9+$0x162C0];
	v31 =	vmul.f32 v24, v6;
	v1 =	vadd.f32 v2, v1;
	v2 =	vmul.f32 v22, v14  }
0x111: {  	v23 =	vld [tilespmem:s9+$0x15F40];
	v30 =	vmul.f32 v0, v36;
	v32 =	vmul.f32 v24, v7  }
0x112: {  	s14 =	simm.s32 $0x80;
	v29 =	vmul.f32 v0, v3;
	v27 =	vadd.f32 v27, v26;
	v26 =	vld [tilespmem:s9+$0x16100];
	v33 =	vadd.f32 v2, v1  }
.LBB2_7:
0x113: {  	p0 =	sne.s32 s14, $0x6C0;
	v0 =	vld [tilespmem:s9+$0x16640];
	v1 =	vmul.f32 v22, v10;
	v2 =	vadd.f32 v31, v28;
	v24 =	vmul.f32 v24, v8  }
0x114: {  	v31 =	vmul.f32 v22, v11;
	v28 =	vld [tilespmem:s9+$0x16800];
	v30 =	vadd.f32 v32, v30;
	v32 =	vmul.f32 v22, v12;
	[tilespmem:s10+$0x19040] =	vst v33  }
0x115: {  	v22 =	vmul.f32 v22, v13;
	v33 =	vld [tilespmem:s9+$0x16B80];
	v1 =	vadd.f32 v1, v27;
	v24 =	vadd.f32 v24, v29  }
0x116: {  	v2 =	vadd.f32 v31, v2;
	v27 =	vld [tilespmem:s9+$0x16D40];
	v29 =	vadd.f32 v32, v30  }
0x117: {  	v30 =	vld [tilespmem:s9+$0x170C0];
	[tilespmem:s10+$0x18940] =	vst v1;
	v1 =	vadd.f32 v22, v24  }
0x118: {  	v22 =	vadd.f32 v25, v23;
	v0 =	vadd.f32 v0, v26;
	v23 =	vld [tilespmem:s9+$0x17280];
	[tilespmem:s10+$0x18B00] =	vst v2  }
0x119: {  	v2 =	vld [tilespmem:s9+$0x17600];
	v21 =	vadd.f32 v28, v21;
	[tilespmem:s10+$0x18CC0] =	vst v29  }
0x11a: {  	v20 =	vadd.f32 v20, v22;
	v0 =	vadd.f32 v33, v0;
	v22 =	vld [tilespmem:s9+$0x177C0];
	[tilespmem:s10+$0x18E80] =	vst v1;
	s10 =	smov.u32 s9  }
0x11b: {  	v1 =	vld [tilespmem:s10+$0x17B40];
	v21 =	vadd.f32 v27, v21  }
0x11c: {  	v19 =	vadd.f32 v19, v20;
	v0 =	vadd.f32 v30, v0;
	v20 =	vld [tilespmem:s10+$0x17D00]  }
0x11d: {  	v24 =	vld [tilespmem:s10+$0x18080];
	v21 =	vadd.f32 v23, v21  }
0x11e: {  	v18 =	vadd.f32 v18, v19;
	v0 =	vadd.f32 v2, v0;
	v2 =	vld [tilespmem:s10+$0x18240]  }
0x11f: {  	v19 =	vld [tilespmem:s10+$0x185C0];
	v21 =	vadd.f32 v22, v21  }
0x120: {  	s9 =	sshra.s32 s14, $0x2;
	v17 =	vadd.f32 v17, v18;
	v0 =	vadd.f32 v1, v0;
	v1 =	vld [tilespmem:s10+$0x18780]  }
0x121: {  	v23 =	vld [tilespmem:s9+$0x18400];
	v18 =	vadd.f32 v20, v21  }
0x122: {  	v20 =	vadd.f32 v15, v17;
	v15 =	vld [tilespmem:s9+$0x17EC0];
	v0 =	vadd.f32 v24, v0  }
0x123: {  	v17 =	vld [tilespmem:s9+$0x17980];
	v2 =	vadd.f32 v2, v18  }
0x124: {  	v29 =	vadd.f32 v16, v20;
	v18 =	vld [tilespmem:s9+$0x17440];
	v24 =	vadd.f32 v19, v0  }
0x125: {  	v19 =	vld [tilespmem:s9+$0x16F00]  }
.Ltmp2:
0x126: {  	v22 =	vadd.f32 v1, v2;
	v0 =	vmul.f32 v29, v4;
	v20 =	vld [tilespmem:s9+$0x169C0];
	v1 =	vmul.f32 v24, v9;
	v16 =	vmovc v23;
	(pc) =	sbr.rel @p0 .LBB2_7-.Ltmp2, $4  }
0x127: {  	v2 =	vmul.f32 v29, v34;
	v26 =	vmul.f32 v24, v5;
	v21 =	vld [tilespmem:s9+$0x162C0]  }
0x128: {  	v28 =	vmul.f32 v29, v35;
	v23 =	vld [tilespmem:s9+$0x15F40];
	v0 =	vadd.f32 v1, v0;
	v1 =	vmul.f32 v22, v14  }
0x129: {  	v30 =	vmul.f32 v29, v36;
	v31 =	vmul.f32 v24, v6;
	v27 =	vadd.f32 v26, v2;
	v25 =	vld [tilespmem:s9+$0x16480]  }
0x12a: {  	s14 =	sadd.s32 $0x40, s14;
	v29 =	vmul.f32 v29, v3;
	v32 =	vmul.f32 v24, v7;
	v26 =	vld [tilespmem:s9+$0x16100];
	v33 =	vadd.f32 v1, v0  }
0x12b: {  	_ = 	snop  }
0x12c: {  	v0 =	vld [tilespmem:s9+$0x16640];
	v2 =	vmul.f32 v22, v10;
	v28 =	vadd.f32 v31, v28  }
0x12d: {  	v1 =	vld [tilespmem:s9+$0x16800];
	v41 =	vmul.f32 v22, v11;
	v24 =	vmul.f32 v24, v8;
	[tilespmem:s10+$0x19040] =	vst v33;
	v30 =	vadd.f32 v32, v30  }
0x12e: {  	v44 =	vmul.f32 v22, v12;
	v33 =	vld [tilespmem:s9+$0x16B80];
	v2 =	vadd.f32 v2, v27;
	v23 =	vadd.f32 v25, v23  }
0x12f: {  	v45 =	vmul.f32 v22, v13;
	v42 =	vld [tilespmem:s9+$0x16D40];
	v28 =	vadd.f32 v41, v28;
	v24 =	vadd.f32 v24, v29  }
0x130: {  	v43 =	vld [tilespmem:s9+$0x170C0];
	v46 =	vadd.f32 v44, v30;
	[tilespmem:s10+$0x18940] =	vst v2;
	v20 =	vadd.f32 v20, v23  }
0x131: {  	v22 =	vadd.f32 v45, v24;
	v2 =	vld [tilespmem:s9+$0x17280];
	[tilespmem:s10+$0x18B00] =	vst v28;
	v0 =	vadd.f32 v0, v26  }
0x132: {  	v1 =	vadd.f32 v1, v21;
	v47 =	vld [tilespmem:s9+$0x17600];
	[tilespmem:s10+$0x18CC0] =	vst v46;
	v19 =	vadd.f32 v19, v20  }
0x133: {  	v48 =	vld [tilespmem:s9+$0x177C0];
	v0 =	vadd.f32 v33, v0;
	[tilespmem:s10+$0x18E80] =	vst v22  }
0x134: {  	v1 =	vadd.f32 v42, v1;
	v49 =	vld [tilespmem:s9+$0x17B40];
	v18 =	vadd.f32 v18, v19  }
0x135: {  	v50 =	vld [tilespmem:s9+$0x17D00];
	v0 =	vadd.f32 v43, v0  }
0x136: {  	v22 =	vld [tilespmem:s9+$0x18080];
	v1 =	vadd.f32 v2, v1;
	v17 =	vadd.f32 v17, v18  }
0x137: {  	v2 =	vld [tilespmem:s9+$0x18240];
	v0 =	vadd.f32 v47, v0  }
0x138: {  	v51 =	vld [tilespmem:s9+$0x185C0];
	v1 =	vadd.f32 v48, v1;
	v15 =	vadd.f32 v15, v17  }
0x139: {  	v0 =	vadd.f32 v49, v0  }
0x13a: {  	v52 =	vld [tilespmem:s9+$0x18780];
	v1 =	vadd.f32 v50, v1;
	v15 =	vadd.f32 v16, v15  }
0x13b: {  	v0 =	vadd.f32 v22, v0  }
0x13c: {  	v1 =	vadd.f32 v2, v1;
	v2 =	vmul.f32 v15, v4  }
0x13d: {  	v0 =	vadd.f32 v51, v0;
	v54 =	vmul.f32 v15, v34;
	v56 =	vmul.f32 v15, v35  }
0x13e: {  	v59 =	vmul.f32 v15, v36;
	v15 =	vmul.f32 v15, v3  }
0x13f: {  	v1 =	vadd.f32 v52, v1;
	v53 =	vmul.f32 v0, v9;
	v55 =	vmul.f32 v0, v5  }
0x140: {  	v58 =	vmul.f32 v0, v6;
	v60 =	vmul.f32 v0, v7  }
0x141: {  	v0 =	vmul.f32 v0, v8;
	v57 =	vmul.f32 v1, v14;
	v2 =	vadd.f32 v53, v2  }
0x142: {  	v61 =	vmul.f32 v1, v10;
	v62 =	vmul.f32 v1, v11;
	v17 =	vadd.f32 v55, v54  }
0x143: {  	v63 =	vmul.f32 v1, v12;
	v18 =	vadd.f32 v60, v59;
	v2 =	vadd.f32 v57, v2  }
0x144: {  	v1 =	vmul.f32 v1, v13;
	v0 =	vadd.f32 v0, v15;
	v16 =	vadd.f32 v61, v17  }
0x145: {  	s14 =	smul.u32 $0xE00, s7;
	v19 =	vadd.f32 v58, v56;
	v15 =	vadd.f32 v63, v18;
	[tilespmem:s9+$0x19040] =	vst v2  }
0x146: {  	v0 =	vadd.f32 v1, v0;
	[tilespmem:s9+$0x18940] =	vst v16  }
0x147: {  	s7 =	sadd.s32 $0x1, s7;
	s10 =	sadd.s32 s14, s13;
	v2 =	vadd.f32 v62, v19;
	[tilespmem:s9+$0x18CC0] =	vst v15  }
0x148: {  	p0 =	sne.s32 s7, $0xE;
	s10 =	sshrl.u32 s10, $0x3;
	[tilespmem:s9+$0x18E80] =	vst v0  }
.Ltmp3:
0x149: {  	s14 =	sadd.s32 s2, s10;
	[tilespmem:s9+$0x18B00] =	vst v2;
	(pc) =	sbr.rel @p0 .LBB2_6-.Ltmp3, $4  }
0x14a: {  	[hbm4b:s14+s21] =	stream.strided.scatter [tilespmem:s1], [sflag:$0x1], $0x8C0, s0, s21, $0x38;
	[tilespmem:$0x192F0] =	vst v63  }
0x14b: {  	_ =	swait.ge [sflag:s15], $0x8C0  }
0x14c: {  	[sflag:s15] =	ssyncset.done $0x0  }
0x14d: {  	[sflag:s15] =	ssyncadd.s32 $0xFFFFF740  }
0x14e: {  	s17 =	sadd.s32 $0x1, s17;
	s7 =	rddreg [dreg:$0x6]  }
0x14f: {  	p0 =	sne.s32 s17, s7  }
.Ltmp4:
0x150: {  	_ = 	snop;
	(pc) =	sbr.rel @p0 .LBB2_1-.Ltmp4, $1  }
0x151: {  	_ =	sdelay $0x3  }
0x152: {  	_ =	sfence.sel $0x180000  }
0x153: {  	[bflag:$0x0] =	sbarrier.arrive $0xFFFF  }
0x154: {  	_ =	strace $0x90000047  }
0x155: {  	s0 =	stileid.u32;
	[bflag:$0x2] =	sbarrier.arrive $0xFFFF  }
0x156: {  	p0 =	sne.s32 s0, $0x0;
	s0 =	rddreg [dreg:$0x2]  }
0x157: {  	s0 =	sadd.s32 @!p0 $0x100000, s0  }
0x158: {  	[sflag:s0] =	ssyncadd.tile.s32 @!p0 $0x1;
	_ =	shalt  }
.Lfunc_end2:
_tile_overlayer_lowered:
.L_overlay_start_2:
0x159: {  	(tag) =	ssettag $0x2  }
0x15a: {  	s0 =	rddreg [dreg:$0x0];
	s2 =	stileid.u32  }
0x15b: {  	s1 =	rddreg [dreg:$0x1];
	p0 =	sne.s32 s2, $0x0  }
0x15c: {  	s3 =	rddreg [dreg:$0x2];
	[bflag:$0x3] =	sbarrier.arrive $0xFFFF;
	s2 =	simm.s32 @!p0 $0x1C01  }
0x15d: {  	[timem:s3], [sflag:s2] =	dma.local @!p0 [hbm:s0], s1  }
0x15e: {  	s0 =	simm.s32 @!p0 $0x1  }
0x15f: {  	_ =	swait.ge @!p0 [sflag:s0], s1  }
0x160: {  	s1 =	ssub.s32 @!p0 $0x0, s1;
	[sflag:s0] =	ssyncset.done @!p0 $0x0  }
0x161: {  	[sflag:s0] =	ssyncadd.s32 @!p0 s1  }
0x162: {  	[bflag:$0x3] =	sbarrier.arrive $0xFFFF  }
0x163: {  	_ =	shalt  }

</sc_bundles>
